<compile_context>
chip_gen: v7x
topology: tpu7x:2x2x1
jax: 0.10.2.dev20260603
libtpu: 0.0.44.dev20260713+nightly
codegen_flags: <defaults>
</compile_context>

<pallas_src>
import jax
import jax.numpy as jnp
from jax import lax
from jax.experimental import pallas as pl
from jax.experimental.pallas import tpu as pltpu
from jax.experimental.pallas import tpu_sc as plsc

B = 4096
S = 50
D = 768
NC = 2
NS = 16
NW = NC * NS
B_PER_W = B // NW


CH = 4
CB = B_PER_W // CH


def _body(xt_ref, so_ref, out_ref, dst_idx, rows, sem_g, sem_i, sem_s):
    wid = lax.axis_index("c") * NS + lax.axis_index("s")
    base = wid * B_PER_W
    gathers = [
        pltpu.async_copy(
            xt_ref.at[0, pl.ds(base + k * CB, CB)],
            rows.at[pl.ds(k * CB, CB)],
            sem_g.at[k],
        )
        for k in range(CH)
    ]
    idx_copies = [
        pltpu.async_copy(so_ref.at[pl.ds(base + k * CB, CB)], dst_idx.at[k], sem_i)
        for k in range(CH)
    ]
    for c in idx_copies:
        c.wait()
    scatters = []
    for k in range(CH):
        gathers[k].wait()
        scatters.append(
            pltpu.async_copy(rows.at[pl.ds(k * CB, CB)], out_ref.at[dst_idx.at[k]], sem_s)
        )
    for c in scatters:
        c.wait()


def kernel(embeded_big_tensor, sorted_lengths, sort_order, sentences_per_doc):
    xt = embeded_big_tensor.transpose(1, 0, 2)
    so = sort_order.astype(jnp.int32)
    mesh = plsc.VectorSubcoreMesh(core_axis_name="c", subcore_axis_name="s")
    out = pl.kernel(
        _body,
        out_type=jax.ShapeDtypeStruct((B, D), jnp.float32),
        mesh=mesh,
        scratch_types=[
            pltpu.VMEM((CH, CB), jnp.int32),
            pltpu.VMEM((B_PER_W, D), jnp.float32),
            pltpu.SemaphoreType.DMA((CH,)),
            pltpu.SemaphoreType.DMA,
            pltpu.SemaphoreType.DMA,
        ],
        compiler_params=pltpu.CompilerParams(
            skip_device_barrier=True,
            disable_bounds_checks=True,
            disable_semaphore_checks=True,
        ),
    )(xt, so)
    return (out, sentences_per_doc)

# --- scband reference (transcript-rebuilt; emitter-appended) ---
"""Pipeline reference for scband-b-model-5858335392119 (READ-ONLY COPY).

The authoritative reference and input builder live on the scoring server;
editing this copy changes nothing except your own understanding.
"""

import jax, jax.numpy as jnp
import numpy as np

B = 4096
S = 50
D = 768
N_DOCS = 64

def setup_inputs(seed: int = 0) -> dict:
    key = jax.random.key(seed)
    k0, k1, k2 = jax.random.split(key, 3)
    embeded_big_tensor = jax.random.normal(k0, (B, S, D), dtype=jnp.float32)
    # sorted (descending) lengths as produced by pack_padded_sequence pipelines
    sorted_lengths = jnp.sort(jax.random.randint(k1, (B,), 1, S))[::-1].astype(jnp.int64)
    # sort_order is a permutation of [0, B); identity permutation via arange per spec
    sort_order = jnp.arange(B, dtype=jnp.int64)
    sentences_per_doc = jax.random.randint(k2, (N_DOCS,), 1, 128).astype(jnp.int64)
    return {
        "embeded_big_tensor": embeded_big_tensor,
        "sorted_lengths": sorted_lengths,
        "sort_order": sort_order,
        "sentences_per_doc": sentences_per_doc,
    }

def reference(embeded_big_tensor, sorted_lengths, sort_order, sentences_per_doc):
    # pooled_output = embeded_big_tensor[:, 0, :]  (CLS-token pooling)
    pooled_output = embeded_big_tensor[:, 0, :]
    # unsort(sort_order): inverse permutation restoring original sentence order
    unsort_order = jnp.argsort(sort_order)
    unsorted_sent_repr = jnp.take(pooled_output, unsort_order, axis=0)
    return (unsorted_sent_repr, sentences_per_doc)

if __name__ == "__main__":
    import jax
    _d = setup_inputs()
    print(jax.jit(kernel)(*tuple(_d.values())))

</pallas_src>

<mosaic_0001>
#map = affine_map<(d0, d1) -> (0, 0, 0)>
#map1 = affine_map<(d0, d1) -> (0)>
#map2 = affine_map<(d0, d1) -> (0, 0)>
module attributes {stable_mosaic.version = 14 : i64} {
  func.func @_body(%arg0: i32, %arg1: i32, %arg2: memref<50x4096x768xf32, #tpu.memory_space<hbm>>, %arg3: memref<4096xi32, #tpu.memory_space<hbm>>, %arg4: memref<4096x768xf32, #tpu.memory_space<hbm>>, %arg5: memref<4x32xi32, #tpu.memory_space<vmem>>, %arg6: memref<128x768xf32, #tpu.memory_space<vmem>>, %arg7: memref<4x!tpu.dma_semaphore, #tpu.memory_space<semaphore_mem>>, %arg8: memref<!tpu.dma_semaphore, #tpu.memory_space<semaphore_mem>>, %arg9: memref<!tpu.dma_semaphore, #tpu.memory_space<semaphore_mem>>) attributes {dimension_semantics = [#tpu.dimension_semantics<core_parallel>, #tpu.dimension_semantics<subcore_parallel>], iteration_bounds = array<i64: 2, 16>, scalar_prefetch = 0 : i64, scratch_operands = 5 : i64, tpu.core_type = #tpu.core_type<sc_vector_subcore>, window_params = [{transform_indices = #map}, {transform_indices = #map1}, {transform_indices = #map2}]} {
    %mul3A = arith.constant 16 : i32
    %mul3A_0 = arith.muli %arg0, %mul3A : i32
    %add3A = arith.addi %mul3A_0, %arg1 : i32
    %mul3A_1 = arith.constant 128 : i32
    %mul3A_2 = arith.muli %add3A, %mul3A_1 : i32
    %add3A_3 = arith.constant 0 : i32
    %add3A_4 = arith.addi %mul3A_2, %add3A_3 : i32
    %dma_start3A = arith.constant 0 : i32
    %dma_start3A_5 = arith.constant 0 : i32
    %dma_start3A_6 = arith.constant 0 : i32
    %dma_start3A_7 = arith.constant 0 : i32
    %dma_start3A_8 = tpu.memref_slice %arg6[%dma_start3A_6, %dma_start3A_7] : memref<128x768xf32, #tpu.memory_space<vmem>> -> memref<32x768xf32, #tpu.memory_space<vmem>>
    %dma_start3A_9 = arith.constant 0 : i32
    %dma_start3A_10 = tpu.memref_slice %arg2[%dma_start3A, %add3A_4, %dma_start3A_9] : memref<50x4096x768xf32, #tpu.memory_space<hbm>> -> memref<1x32x768xf32, #tpu.memory_space<hbm>>
    %dma_start3A_11 = tpu.memref_squeeze %dma_start3A_10 : memref<1x32x768xf32, #tpu.memory_space<hbm>> -> memref<32x768xf32, #tpu.memory_space<hbm>>
    %dma_start3A_12 = tpu.memref_slice %arg7[%dma_start3A_5] : memref<4x!tpu.dma_semaphore, #tpu.memory_space<semaphore_mem>> -> memref<1x!tpu.dma_semaphore, #tpu.memory_space<semaphore_mem>>
    %dma_start3A_13 = tpu.memref_squeeze %dma_start3A_12 : memref<1x!tpu.dma_semaphore, #tpu.memory_space<semaphore_mem>> -> memref<!tpu.dma_semaphore, #tpu.memory_space<semaphore_mem>>
    %dma_start3A_14 = arith.constant 0 : i32
    %dma_start3A_15 = arith.constant 0 : i32
    %dma_start3A_16 = tpu.memref_slice %arg6[%dma_start3A_14, %dma_start3A_15] : memref<128x768xf32, #tpu.memory_space<vmem>> -> memref<32x768xf32, #tpu.memory_space<vmem>>
    %dma_start3A_17 = arith.constant 0 : i32
    %dma_start3A_18 = tpu.memref_slice %arg2[%dma_start3A, %add3A_4, %dma_start3A_17] : memref<50x4096x768xf32, #tpu.memory_space<hbm>> -> memref<1x32x768xf32, #tpu.memory_space<hbm>>
    %dma_start3A_19 = tpu.memref_squeeze %dma_start3A_18 : memref<1x32x768xf32, #tpu.memory_space<hbm>> -> memref<32x768xf32, #tpu.memory_space<hbm>>
    tpu.enqueue_dma source(%dma_start3A_19 : memref<32x768xf32, #tpu.memory_space<hbm>>) target(%dma_start3A_16 : memref<32x768xf32, #tpu.memory_space<vmem>>) target_semaphore(%dma_start3A_13 : memref<!tpu.dma_semaphore, #tpu.memory_space<semaphore_mem>>)
    %add3A_20 = arith.constant 32 : i32
    %add3A_21 = arith.addi %mul3A_2, %add3A_20 : i32
    %dma_start3A_22 = arith.constant 0 : i32
    %dma_start3A_23 = arith.constant 1 : i32
    %dma_start3A_24 = arith.constant 32 : i32
    %dma_start3A_25 = arith.constant 0 : i32
    %dma_start3A_26 = tpu.memref_slice %arg6[%dma_start3A_24, %dma_start3A_25] : memref<128x768xf32, #tpu.memory_space<vmem>> -> memref<32x768xf32, #tpu.memory_space<vmem>>
    %dma_start3A_27 = arith.constant 0 : i32
    %dma_start3A_28 = tpu.memref_slice %arg2[%dma_start3A_22, %add3A_21, %dma_start3A_27] : memref<50x4096x768xf32, #tpu.memory_space<hbm>> -> memref<1x32x768xf32, #tpu.memory_space<hbm>>
    %dma_start3A_29 = tpu.memref_squeeze %dma_start3A_28 : memref<1x32x768xf32, #tpu.memory_space<hbm>> -> memref<32x768xf32, #tpu.memory_space<hbm>>
    %dma_start3A_30 = tpu.memref_slice %arg7[%dma_start3A_23] : memref<4x!tpu.dma_semaphore, #tpu.memory_space<semaphore_mem>> -> memref<1x!tpu.dma_semaphore, #tpu.memory_space<semaphore_mem>>
    %dma_start3A_31 = tpu.memref_squeeze %dma_start3A_30 : memref<1x!tpu.dma_semaphore, #tpu.memory_space<semaphore_mem>> -> memref<!tpu.dma_semaphore, #tpu.memory_space<semaphore_mem>>
    %dma_start3A_32 = arith.constant 32 : i32
    %dma_start3A_33 = arith.constant 0 : i32
    %dma_start3A_34 = tpu.memref_slice %arg6[%dma_start3A_32, %dma_start3A_33] : memref<128x768xf32, #tpu.memory_space<vmem>> -> memref<32x768xf32, #tpu.memory_space<vmem>>
    %dma_start3A_35 = arith.constant 0 : i32
    %dma_start3A_36 = tpu.memref_slice %arg2[%dma_start3A_22, %add3A_21, %dma_start3A_35] : memref<50x4096x768xf32, #tpu.memory_space<hbm>> -> memref<1x32x768xf32, #tpu.memory_space<hbm>>
    %dma_start3A_37 = tpu.memref_squeeze %dma_start3A_36 : memref<1x32x768xf32, #tpu.memory_space<hbm>> -> memref<32x768xf32, #tpu.memory_space<hbm>>
    tpu.enqueue_dma source(%dma_start3A_37 : memref<32x768xf32, #tpu.memory_space<hbm>>) target(%dma_start3A_34 : memref<32x768xf32, #tpu.memory_space<vmem>>) target_semaphore(%dma_start3A_31 : memref<!tpu.dma_semaphore, #tpu.memory_space<semaphore_mem>>)
    %add3A_38 = arith.constant 64 : i32
    %add3A_39 = arith.addi %mul3A_2, %add3A_38 : i32
    %dma_start3A_40 = arith.constant 0 : i32
    %dma_start3A_41 = arith.constant 2 : i32
    %dma_start3A_42 = arith.constant 64 : i32
    %dma_start3A_43 = arith.constant 0 : i32
    %dma_start3A_44 = tpu.memref_slice %arg6[%dma_start3A_42, %dma_start3A_43] : memref<128x768xf32, #tpu.memory_space<vmem>> -> memref<32x768xf32, #tpu.memory_space<vmem>>
    %dma_start3A_45 = arith.constant 0 : i32
    %dma_start3A_46 = tpu.memref_slice %arg2[%dma_start3A_40, %add3A_39, %dma_start3A_45] : memref<50x4096x768xf32, #tpu.memory_space<hbm>> -> memref<1x32x768xf32, #tpu.memory_space<hbm>>
    %dma_start3A_47 = tpu.memref_squeeze %dma_start3A_46 : memref<1x32x768xf32, #tpu.memory_space<hbm>> -> memref<32x768xf32, #tpu.memory_space<hbm>>
    %dma_start3A_48 = tpu.memref_slice %arg7[%dma_start3A_41] : memref<4x!tpu.dma_semaphore, #tpu.memory_space<semaphore_mem>> -> memref<1x!tpu.dma_semaphore, #tpu.memory_space<semaphore_mem>>
    %dma_start3A_49 = tpu.memref_squeeze %dma_start3A_48 : memref<1x!tpu.dma_semaphore, #tpu.memory_space<semaphore_mem>> -> memref<!tpu.dma_semaphore, #tpu.memory_space<semaphore_mem>>
    %dma_start3A_50 = arith.constant 64 : i32
    %dma_start3A_51 = arith.constant 0 : i32
    %dma_start3A_52 = tpu.memref_slice %arg6[%dma_start3A_50, %dma_start3A_51] : memref<128x768xf32, #tpu.memory_space<vmem>> -> memref<32x768xf32, #tpu.memory_space<vmem>>
    %dma_start3A_53 = arith.constant 0 : i32
    %dma_start3A_54 = tpu.memref_slice %arg2[%dma_start3A_40, %add3A_39, %dma_start3A_53] : memref<50x4096x768xf32, #tpu.memory_space<hbm>> -> memref<1x32x768xf32, #tpu.memory_space<hbm>>
    %dma_start3A_55 = tpu.memref_squeeze %dma_start3A_54 : memref<1x32x768xf32, #tpu.memory_space<hbm>> -> memref<32x768xf32, #tpu.memory_space<hbm>>
    tpu.enqueue_dma source(%dma_start3A_55 : memref<32x768xf32, #tpu.memory_space<hbm>>) target(%dma_start3A_52 : memref<32x768xf32, #tpu.memory_space<vmem>>) target_semaphore(%dma_start3A_49 : memref<!tpu.dma_semaphore, #tpu.memory_space<semaphore_mem>>)
    %add3A_56 = arith.constant 96 : i32
    %add3A_57 = arith.addi %mul3A_2, %add3A_56 : i32
    %dma_start3A_58 = arith.constant 0 : i32
    %dma_start3A_59 = arith.constant 3 : i32
    %dma_start3A_60 = arith.constant 96 : i32
    %dma_start3A_61 = arith.constant 0 : i32
    %dma_start3A_62 = tpu.memref_slice %arg6[%dma_start3A_60, %dma_start3A_61] : memref<128x768xf32, #tpu.memory_space<vmem>> -> memref<32x768xf32, #tpu.memory_space<vmem>>
    %dma_start3A_63 = arith.constant 0 : i32
    %dma_start3A_64 = tpu.memref_slice %arg2[%dma_start3A_58, %add3A_57, %dma_start3A_63] : memref<50x4096x768xf32, #tpu.memory_space<hbm>> -> memref<1x32x768xf32, #tpu.memory_space<hbm>>
    %dma_start3A_65 = tpu.memref_squeeze %dma_start3A_64 : memref<1x32x768xf32, #tpu.memory_space<hbm>> -> memref<32x768xf32, #tpu.memory_space<hbm>>
    %dma_start3A_66 = tpu.memref_slice %arg7[%dma_start3A_59] : memref<4x!tpu.dma_semaphore, #tpu.memory_space<semaphore_mem>> -> memref<1x!tpu.dma_semaphore, #tpu.memory_space<semaphore_mem>>
    %dma_start3A_67 = tpu.memref_squeeze %dma_start3A_66 : memref<1x!tpu.dma_semaphore, #tpu.memory_space<semaphore_mem>> -> memref<!tpu.dma_semaphore, #tpu.memory_space<semaphore_mem>>
    %dma_start3A_68 = arith.constant 96 : i32
    %dma_start3A_69 = arith.constant 0 : i32
    %dma_start3A_70 = tpu.memref_slice %arg6[%dma_start3A_68, %dma_start3A_69] : memref<128x768xf32, #tpu.memory_space<vmem>> -> memref<32x768xf32, #tpu.memory_space<vmem>>
    %dma_start3A_71 = arith.constant 0 : i32
    %dma_start3A_72 = tpu.memref_slice %arg2[%dma_start3A_58, %add3A_57, %dma_start3A_71] : memref<50x4096x768xf32, #tpu.memory_space<hbm>> -> memref<1x32x768xf32, #tpu.memory_space<hbm>>
    %dma_start3A_73 = tpu.memref_squeeze %dma_start3A_72 : memref<1x32x768xf32, #tpu.memory_space<hbm>> -> memref<32x768xf32, #tpu.memory_space<hbm>>
    tpu.enqueue_dma source(%dma_start3A_73 : memref<32x768xf32, #tpu.memory_space<hbm>>) target(%dma_start3A_70 : memref<32x768xf32, #tpu.memory_space<vmem>>) target_semaphore(%dma_start3A_67 : memref<!tpu.dma_semaphore, #tpu.memory_space<semaphore_mem>>)
    %add3A_74 = arith.constant 0 : i32
    %add3A_75 = arith.addi %mul3A_2, %add3A_74 : i32
    %dma_start3A_76 = arith.constant 0 : i32
    %dma_start3A_77 = arith.constant 0 : i32
    %dma_start3A_78 = tpu.memref_slice %arg5[%dma_start3A_76, %dma_start3A_77] : memref<4x32xi32, #tpu.memory_space<vmem>> -> memref<1x32xi32, #tpu.memory_space<vmem>>
    %dma_start3A_79 = tpu.memref_squeeze %dma_start3A_78 : memref<1x32xi32, #tpu.memory_space<vmem>> -> memref<32xi32, #tpu.memory_space<vmem>>
    %dma_start3A_80 = tpu.memref_slice %arg3[%add3A_75] : memref<4096xi32, #tpu.memory_space<hbm>> -> memref<32xi32, #tpu.memory_space<hbm>>
    %dma_start3A_81 = arith.constant 0 : i32
    %dma_start3A_82 = tpu.memref_slice %arg5[%dma_start3A_76, %dma_start3A_81] : memref<4x32xi32, #tpu.memory_space<vmem>> -> memref<1x32xi32, #tpu.memory_space<vmem>>
    %dma_start3A_83 = tpu.memref_squeeze %dma_start3A_82 : memref<1x32xi32, #tpu.memory_space<vmem>> -> memref<32xi32, #tpu.memory_space<vmem>>
    %dma_start3A_84 = tpu.memref_slice %arg3[%add3A_75] : memref<4096xi32, #tpu.memory_space<hbm>> -> memref<32xi32, #tpu.memory_space<hbm>>
    tpu.enqueue_dma source(%dma_start3A_84 : memref<32xi32, #tpu.memory_space<hbm>>) target(%dma_start3A_83 : memref<32xi32, #tpu.memory_space<vmem>>) target_semaphore(%arg8 : memref<!tpu.dma_semaphore, #tpu.memory_space<semaphore_mem>>)
    %add3A_85 = arith.constant 32 : i32
    %add3A_86 = arith.addi %mul3A_2, %add3A_85 : i32
    %dma_start3A_87 = arith.constant 1 : i32
    %dma_start3A_88 = arith.constant 0 : i32
    %dma_start3A_89 = tpu.memref_slice %arg5[%dma_start3A_87, %dma_start3A_88] : memref<4x32xi32, #tpu.memory_space<vmem>> -> memref<1x32xi32, #tpu.memory_space<vmem>>
    %dma_start3A_90 = tpu.memref_squeeze %dma_start3A_89 : memref<1x32xi32, #tpu.memory_space<vmem>> -> memref<32xi32, #tpu.memory_space<vmem>>
    %dma_start3A_91 = tpu.memref_slice %arg3[%add3A_86] : memref<4096xi32, #tpu.memory_space<hbm>> -> memref<32xi32, #tpu.memory_space<hbm>>
    %dma_start3A_92 = arith.constant 0 : i32
    %dma_start3A_93 = tpu.memref_slice %arg5[%dma_start3A_87, %dma_start3A_92] : memref<4x32xi32, #tpu.memory_space<vmem>> -> memref<1x32xi32, #tpu.memory_space<vmem>>
    %dma_start3A_94 = tpu.memref_squeeze %dma_start3A_93 : memref<1x32xi32, #tpu.memory_space<vmem>> -> memref<32xi32, #tpu.memory_space<vmem>>
    %dma_start3A_95 = tpu.memref_slice %arg3[%add3A_86] : memref<4096xi32, #tpu.memory_space<hbm>> -> memref<32xi32, #tpu.memory_space<hbm>>
    tpu.enqueue_dma source(%dma_start3A_95 : memref<32xi32, #tpu.memory_space<hbm>>) target(%dma_start3A_94 : memref<32xi32, #tpu.memory_space<vmem>>) target_semaphore(%arg8 : memref<!tpu.dma_semaphore, #tpu.memory_space<semaphore_mem>>)
    %add3A_96 = arith.constant 64 : i32
    %add3A_97 = arith.addi %mul3A_2, %add3A_96 : i32
    %dma_start3A_98 = arith.constant 2 : i32
    %dma_start3A_99 = arith.constant 0 : i32
    %dma_start3A_100 = tpu.memref_slice %arg5[%dma_start3A_98, %dma_start3A_99] : memref<4x32xi32, #tpu.memory_space<vmem>> -> memref<1x32xi32, #tpu.memory_space<vmem>>
    %dma_start3A_101 = tpu.memref_squeeze %dma_start3A_100 : memref<1x32xi32, #tpu.memory_space<vmem>> -> memref<32xi32, #tpu.memory_space<vmem>>
    %dma_start3A_102 = tpu.memref_slice %arg3[%add3A_97] : memref<4096xi32, #tpu.memory_space<hbm>> -> memref<32xi32, #tpu.memory_space<hbm>>
    %dma_start3A_103 = arith.constant 0 : i32
    %dma_start3A_104 = tpu.memref_slice %arg5[%dma_start3A_98, %dma_start3A_103] : memref<4x32xi32, #tpu.memory_space<vmem>> -> memref<1x32xi32, #tpu.memory_space<vmem>>
    %dma_start3A_105 = tpu.memref_squeeze %dma_start3A_104 : memref<1x32xi32, #tpu.memory_space<vmem>> -> memref<32xi32, #tpu.memory_space<vmem>>
    %dma_start3A_106 = tpu.memref_slice %arg3[%add3A_97] : memref<4096xi32, #tpu.memory_space<hbm>> -> memref<32xi32, #tpu.memory_space<hbm>>
    tpu.enqueue_dma source(%dma_start3A_106 : memref<32xi32, #tpu.memory_space<hbm>>) target(%dma_start3A_105 : memref<32xi32, #tpu.memory_space<vmem>>) target_semaphore(%arg8 : memref<!tpu.dma_semaphore, #tpu.memory_space<semaphore_mem>>)
    %add3A_107 = arith.constant 96 : i32
    %add3A_108 = arith.addi %mul3A_2, %add3A_107 : i32
    %dma_start3A_109 = arith.constant 3 : i32
    %dma_start3A_110 = arith.constant 0 : i32
    %dma_start3A_111 = tpu.memref_slice %arg5[%dma_start3A_109, %dma_start3A_110] : memref<4x32xi32, #tpu.memory_space<vmem>> -> memref<1x32xi32, #tpu.memory_space<vmem>>
    %dma_start3A_112 = tpu.memref_squeeze %dma_start3A_111 : memref<1x32xi32, #tpu.memory_space<vmem>> -> memref<32xi32, #tpu.memory_space<vmem>>
    %dma_start3A_113 = tpu.memref_slice %arg3[%add3A_108] : memref<4096xi32, #tpu.memory_space<hbm>> -> memref<32xi32, #tpu.memory_space<hbm>>
    %dma_start3A_114 = arith.constant 0 : i32
    %dma_start3A_115 = tpu.memref_slice %arg5[%dma_start3A_109, %dma_start3A_114] : memref<4x32xi32, #tpu.memory_space<vmem>> -> memref<1x32xi32, #tpu.memory_space<vmem>>
    %dma_start3A_116 = tpu.memref_squeeze %dma_start3A_115 : memref<1x32xi32, #tpu.memory_space<vmem>> -> memref<32xi32, #tpu.memory_space<vmem>>
    %dma_start3A_117 = tpu.memref_slice %arg3[%add3A_108] : memref<4096xi32, #tpu.memory_space<hbm>> -> memref<32xi32, #tpu.memory_space<hbm>>
    tpu.enqueue_dma source(%dma_start3A_117 : memref<32xi32, #tpu.memory_space<hbm>>) target(%dma_start3A_116 : memref<32xi32, #tpu.memory_space<vmem>>) target_semaphore(%arg8 : memref<!tpu.dma_semaphore, #tpu.memory_space<semaphore_mem>>)
    %dma_wait3A = arith.constant 0 : i32
    %dma_wait3A_118 = arith.constant 0 : i32
    %dma_wait3A_119 = tpu.memref_slice %arg5[%dma_wait3A, %dma_wait3A_118] : memref<4x32xi32, #tpu.memory_space<vmem>> -> memref<1x32xi32, #tpu.memory_space<vmem>>
    %dma_wait3A_120 = tpu.memref_squeeze %dma_wait3A_119 : memref<1x32xi32, #tpu.memory_space<vmem>> -> memref<32xi32, #tpu.memory_space<vmem>>
    %dma_wait3A_121 = tpu.memref_slice %arg3[%add3A_75] : memref<4096xi32, #tpu.memory_space<hbm>> -> memref<32xi32, #tpu.memory_space<hbm>>
    %dma_wait3A_122 = arith.constant 0 : i32
    %dma_wait3A_123 = tpu.memref_slice %arg5[%dma_wait3A, %dma_wait3A_122] : memref<4x32xi32, #tpu.memory_space<vmem>> -> memref<1x32xi32, #tpu.memory_space<vmem>>
    %dma_wait3A_124 = tpu.memref_squeeze %dma_wait3A_123 : memref<1x32xi32, #tpu.memory_space<vmem>> -> memref<32xi32, #tpu.memory_space<vmem>>
    %dma_wait3A_125 = tpu.memref_slice %arg3[%add3A_75] : memref<4096xi32, #tpu.memory_space<hbm>> -> memref<32xi32, #tpu.memory_space<hbm>>
    tpu.wait_dma2 semaphore(%arg8 : memref<!tpu.dma_semaphore, #tpu.memory_space<semaphore_mem>>) src(%dma_wait3A_125 : memref<32xi32, #tpu.memory_space<hbm>>) dst(%dma_wait3A_124 : memref<32xi32, #tpu.memory_space<vmem>>)
    %dma_wait3A_126 = arith.constant 1 : i32
    %dma_wait3A_127 = arith.constant 0 : i32
    %dma_wait3A_128 = tpu.memref_slice %arg5[%dma_wait3A_126, %dma_wait3A_127] : memref<4x32xi32, #tpu.memory_space<vmem>> -> memref<1x32xi32, #tpu.memory_space<vmem>>
    %dma_wait3A_129 = tpu.memref_squeeze %dma_wait3A_128 : memref<1x32xi32, #tpu.memory_space<vmem>> -> memref<32xi32, #tpu.memory_space<vmem>>
    %dma_wait3A_130 = tpu.memref_slice %arg3[%add3A_86] : memref<4096xi32, #tpu.memory_space<hbm>> -> memref<32xi32, #tpu.memory_space<hbm>>
    %dma_wait3A_131 = arith.constant 0 : i32
    %dma_wait3A_132 = tpu.memref_slice %arg5[%dma_wait3A_126, %dma_wait3A_131] : memref<4x32xi32, #tpu.memory_space<vmem>> -> memref<1x32xi32, #tpu.memory_space<vmem>>
    %dma_wait3A_133 = tpu.memref_squeeze %dma_wait3A_132 : memref<1x32xi32, #tpu.memory_space<vmem>> -> memref<32xi32, #tpu.memory_space<vmem>>
    %dma_wait3A_134 = tpu.memref_slice %arg3[%add3A_86] : memref<4096xi32, #tpu.memory_space<hbm>> -> memref<32xi32, #tpu.memory_space<hbm>>
    tpu.wait_dma2 semaphore(%arg8 : memref<!tpu.dma_semaphore, #tpu.memory_space<semaphore_mem>>) src(%dma_wait3A_134 : memref<32xi32, #tpu.memory_space<hbm>>) dst(%dma_wait3A_133 : memref<32xi32, #tpu.memory_space<vmem>>)
    %dma_wait3A_135 = arith.constant 2 : i32
    %dma_wait3A_136 = arith.constant 0 : i32
    %dma_wait3A_137 = tpu.memref_slice %arg5[%dma_wait3A_135, %dma_wait3A_136] : memref<4x32xi32, #tpu.memory_space<vmem>> -> memref<1x32xi32, #tpu.memory_space<vmem>>
    %dma_wait3A_138 = tpu.memref_squeeze %dma_wait3A_137 : memref<1x32xi32, #tpu.memory_space<vmem>> -> memref<32xi32, #tpu.memory_space<vmem>>
    %dma_wait3A_139 = tpu.memref_slice %arg3[%add3A_97] : memref<4096xi32, #tpu.memory_space<hbm>> -> memref<32xi32, #tpu.memory_space<hbm>>
    %dma_wait3A_140 = arith.constant 0 : i32
    %dma_wait3A_141 = tpu.memref_slice %arg5[%dma_wait3A_135, %dma_wait3A_140] : memref<4x32xi32, #tpu.memory_space<vmem>> -> memref<1x32xi32, #tpu.memory_space<vmem>>
    %dma_wait3A_142 = tpu.memref_squeeze %dma_wait3A_141 : memref<1x32xi32, #tpu.memory_space<vmem>> -> memref<32xi32, #tpu.memory_space<vmem>>
    %dma_wait3A_143 = tpu.memref_slice %arg3[%add3A_97] : memref<4096xi32, #tpu.memory_space<hbm>> -> memref<32xi32, #tpu.memory_space<hbm>>
    tpu.wait_dma2 semaphore(%arg8 : memref<!tpu.dma_semaphore, #tpu.memory_space<semaphore_mem>>) src(%dma_wait3A_143 : memref<32xi32, #tpu.memory_space<hbm>>) dst(%dma_wait3A_142 : memref<32xi32, #tpu.memory_space<vmem>>)
    %dma_wait3A_144 = arith.constant 3 : i32
    %dma_wait3A_145 = arith.constant 0 : i32
    %dma_wait3A_146 = tpu.memref_slice %arg5[%dma_wait3A_144, %dma_wait3A_145] : memref<4x32xi32, #tpu.memory_space<vmem>> -> memref<1x32xi32, #tpu.memory_space<vmem>>
    %dma_wait3A_147 = tpu.memref_squeeze %dma_wait3A_146 : memref<1x32xi32, #tpu.memory_space<vmem>> -> memref<32xi32, #tpu.memory_space<vmem>>
    %dma_wait3A_148 = tpu.memref_slice %arg3[%add3A_108] : memref<4096xi32, #tpu.memory_space<hbm>> -> memref<32xi32, #tpu.memory_space<hbm>>
    %dma_wait3A_149 = arith.constant 0 : i32
    %dma_wait3A_150 = tpu.memref_slice %arg5[%dma_wait3A_144, %dma_wait3A_149] : memref<4x32xi32, #tpu.memory_space<vmem>> -> memref<1x32xi32, #tpu.memory_space<vmem>>
    %dma_wait3A_151 = tpu.memref_squeeze %dma_wait3A_150 : memref<1x32xi32, #tpu.memory_space<vmem>> -> memref<32xi32, #tpu.memory_space<vmem>>
    %dma_wait3A_152 = tpu.memref_slice %arg3[%add3A_108] : memref<4096xi32, #tpu.memory_space<hbm>> -> memref<32xi32, #tpu.memory_space<hbm>>
    tpu.wait_dma2 semaphore(%arg8 : memref<!tpu.dma_semaphore, #tpu.memory_space<semaphore_mem>>) src(%dma_wait3A_152 : memref<32xi32, #tpu.memory_space<hbm>>) dst(%dma_wait3A_151 : memref<32xi32, #tpu.memory_space<vmem>>)
    %dma_wait3A_153 = arith.constant 0 : i32
    %dma_wait3A_154 = arith.constant 0 : i32
    %dma_wait3A_155 = arith.constant 0 : i32
    %dma_wait3A_156 = arith.constant 0 : i32
    %dma_wait3A_157 = tpu.memref_slice %arg6[%dma_wait3A_155, %dma_wait3A_156] : memref<128x768xf32, #tpu.memory_space<vmem>> -> memref<32x768xf32, #tpu.memory_space<vmem>>
    %dma_wait3A_158 = arith.constant 0 : i32
    %dma_wait3A_159 = tpu.memref_slice %arg2[%dma_wait3A_153, %add3A_4, %dma_wait3A_158] : memref<50x4096x768xf32, #tpu.memory_space<hbm>> -> memref<1x32x768xf32, #tpu.memory_space<hbm>>
    %dma_wait3A_160 = tpu.memref_squeeze %dma_wait3A_159 : memref<1x32x768xf32, #tpu.memory_space<hbm>> -> memref<32x768xf32, #tpu.memory_space<hbm>>
    %dma_wait3A_161 = tpu.memref_slice %arg7[%dma_wait3A_154] : memref<4x!tpu.dma_semaphore, #tpu.memory_space<semaphore_mem>> -> memref<1x!tpu.dma_semaphore, #tpu.memory_space<semaphore_mem>>
    %dma_wait3A_162 = tpu.memref_squeeze %dma_wait3A_161 : memref<1x!tpu.dma_semaphore, #tpu.memory_space<semaphore_mem>> -> memref<!tpu.dma_semaphore, #tpu.memory_space<semaphore_mem>>
    %dma_wait3A_163 = arith.constant 0 : i32
    %dma_wait3A_164 = arith.constant 0 : i32
    %dma_wait3A_165 = tpu.memref_slice %arg6[%dma_wait3A_163, %dma_wait3A_164] : memref<128x768xf32, #tpu.memory_space<vmem>> -> memref<32x768xf32, #tpu.memory_space<vmem>>
    %dma_wait3A_166 = arith.constant 0 : i32
    %dma_wait3A_167 = tpu.memref_slice %arg2[%dma_wait3A_153, %add3A_4, %dma_wait3A_166] : memref<50x4096x768xf32, #tpu.memory_space<hbm>> -> memref<1x32x768xf32, #tpu.memory_space<hbm>>
    %dma_wait3A_168 = tpu.memref_squeeze %dma_wait3A_167 : memref<1x32x768xf32, #tpu.memory_space<hbm>> -> memref<32x768xf32, #tpu.memory_space<hbm>>
    tpu.wait_dma2 semaphore(%dma_wait3A_162 : memref<!tpu.dma_semaphore, #tpu.memory_space<semaphore_mem>>) src(%dma_wait3A_168 : memref<32x768xf32, #tpu.memory_space<hbm>>) dst(%dma_wait3A_165 : memref<32x768xf32, #tpu.memory_space<vmem>>)
    %dma_start3A_169 = arith.constant 0 : i32
    %dma_start3A_170 = arith.constant 0 : i32
    %dma_start3A_171 = arith.constant 0 : i32
    %dma_start3A_172 = tpu.memref_slice %arg6[%dma_start3A_170, %dma_start3A_171] : memref<128x768xf32, #tpu.memory_space<vmem>> -> memref<32x768xf32, #tpu.memory_space<vmem>>
    %dma_start3A_173 = arith.constant 0 : i32
    %dma_start3A_174 = tpu.memref_slice %arg5[%dma_start3A_169, %dma_start3A_173] : memref<4x32xi32, #tpu.memory_space<vmem>> -> memref<1x32xi32, #tpu.memory_space<vmem>>
    %dma_start3A_175 = tpu.memref_squeeze %dma_start3A_174 : memref<1x32xi32, #tpu.memory_space<vmem>> -> memref<32xi32, #tpu.memory_space<vmem>>
    %dma_start3A_176 = arith.constant 0 : i32
    %dma_start3A_177 = arith.constant 0 : i32
    %dma_start3A_178 = tpu.memref_slice %arg4[%dma_start3A_176, %dma_start3A_177] : memref<4096x768xf32, #tpu.memory_space<hbm>> -> memref<4096x768xf32, #tpu.memory_space<hbm>>
    tpu.enqueue_indirect_dma source(%dma_start3A_172 : memref<32x768xf32, #tpu.memory_space<vmem>>) target(%dma_start3A_178 : memref<4096x768xf32, #tpu.memory_space<hbm>>) offsets(%dma_start3A_175 : memref<32xi32, #tpu.memory_space<vmem>>) semaphore(%arg9 : memref<!tpu.dma_semaphore, #tpu.memory_space<semaphore_mem>>)
    %dma_wait3A_179 = arith.constant 0 : i32
    %dma_wait3A_180 = arith.constant 1 : i32
    %dma_wait3A_181 = arith.constant 32 : i32
    %dma_wait3A_182 = arith.constant 0 : i32
    %dma_wait3A_183 = tpu.memref_slice %arg6[%dma_wait3A_181, %dma_wait3A_182] : memref<128x768xf32, #tpu.memory_space<vmem>> -> memref<32x768xf32, #tpu.memory_space<vmem>>
    %dma_wait3A_184 = arith.constant 0 : i32
    %dma_wait3A_185 = tpu.memref_slice %arg2[%dma_wait3A_179, %add3A_21, %dma_wait3A_184] : memref<50x4096x768xf32, #tpu.memory_space<hbm>> -> memref<1x32x768xf32, #tpu.memory_space<hbm>>
    %dma_wait3A_186 = tpu.memref_squeeze %dma_wait3A_185 : memref<1x32x768xf32, #tpu.memory_space<hbm>> -> memref<32x768xf32, #tpu.memory_space<hbm>>
    %dma_wait3A_187 = tpu.memref_slice %arg7[%dma_wait3A_180] : memref<4x!tpu.dma_semaphore, #tpu.memory_space<semaphore_mem>> -> memref<1x!tpu.dma_semaphore, #tpu.memory_space<semaphore_mem>>
    %dma_wait3A_188 = tpu.memref_squeeze %dma_wait3A_187 : memref<1x!tpu.dma_semaphore, #tpu.memory_space<semaphore_mem>> -> memref<!tpu.dma_semaphore, #tpu.memory_space<semaphore_mem>>
    %dma_wait3A_189 = arith.constant 32 : i32
    %dma_wait3A_190 = arith.constant 0 : i32
    %dma_wait3A_191 = tpu.memref_slice %arg6[%dma_wait3A_189, %dma_wait3A_190] : memref<128x768xf32, #tpu.memory_space<vmem>> -> memref<32x768xf32, #tpu.memory_space<vmem>>
    %dma_wait3A_192 = arith.constant 0 : i32
    %dma_wait3A_193 = tpu.memref_slice %arg2[%dma_wait3A_179, %add3A_21, %dma_wait3A_192] : memref<50x4096x768xf32, #tpu.memory_space<hbm>> -> memref<1x32x768xf32, #tpu.memory_space<hbm>>
    %dma_wait3A_194 = tpu.memref_squeeze %dma_wait3A_193 : memref<1x32x768xf32, #tpu.memory_space<hbm>> -> memref<32x768xf32, #tpu.memory_space<hbm>>
    tpu.wait_dma2 semaphore(%dma_wait3A_188 : memref<!tpu.dma_semaphore, #tpu.memory_space<semaphore_mem>>) src(%dma_wait3A_194 : memref<32x768xf32, #tpu.memory_space<hbm>>) dst(%dma_wait3A_191 : memref<32x768xf32, #tpu.memory_space<vmem>>)
    %dma_start3A_195 = arith.constant 1 : i32
    %dma_start3A_196 = arith.constant 32 : i32
    %dma_start3A_197 = arith.constant 0 : i32
    %dma_start3A_198 = tpu.memref_slice %arg6[%dma_start3A_196, %dma_start3A_197] : memref<128x768xf32, #tpu.memory_space<vmem>> -> memref<32x768xf32, #tpu.memory_space<vmem>>
    %dma_start3A_199 = arith.constant 0 : i32
    %dma_start3A_200 = tpu.memref_slice %arg5[%dma_start3A_195, %dma_start3A_199] : memref<4x32xi32, #tpu.memory_space<vmem>> -> memref<1x32xi32, #tpu.memory_space<vmem>>
    %dma_start3A_201 = tpu.memref_squeeze %dma_start3A_200 : memref<1x32xi32, #tpu.memory_space<vmem>> -> memref<32xi32, #tpu.memory_space<vmem>>
    %dma_start3A_202 = arith.constant 0 : i32
    %dma_start3A_203 = arith.constant 0 : i32
    %dma_start3A_204 = tpu.memref_slice %arg4[%dma_start3A_202, %dma_start3A_203] : memref<4096x768xf32, #tpu.memory_space<hbm>> -> memref<4096x768xf32, #tpu.memory_space<hbm>>
    tpu.enqueue_indirect_dma source(%dma_start3A_198 : memref<32x768xf32, #tpu.memory_space<vmem>>) target(%dma_start3A_204 : memref<4096x768xf32, #tpu.memory_space<hbm>>) offsets(%dma_start3A_201 : memref<32xi32, #tpu.memory_space<vmem>>) semaphore(%arg9 : memref<!tpu.dma_semaphore, #tpu.memory_space<semaphore_mem>>)
    %dma_wait3A_205 = arith.constant 0 : i32
    %dma_wait3A_206 = arith.constant 2 : i32
    %dma_wait3A_207 = arith.constant 64 : i32
    %dma_wait3A_208 = arith.constant 0 : i32
    %dma_wait3A_209 = tpu.memref_slice %arg6[%dma_wait3A_207, %dma_wait3A_208] : memref<128x768xf32, #tpu.memory_space<vmem>> -> memref<32x768xf32, #tpu.memory_space<vmem>>
    %dma_wait3A_210 = arith.constant 0 : i32
    %dma_wait3A_211 = tpu.memref_slice %arg2[%dma_wait3A_205, %add3A_39, %dma_wait3A_210] : memref<50x4096x768xf32, #tpu.memory_space<hbm>> -> memref<1x32x768xf32, #tpu.memory_space<hbm>>
    %dma_wait3A_212 = tpu.memref_squeeze %dma_wait3A_211 : memref<1x32x768xf32, #tpu.memory_space<hbm>> -> memref<32x768xf32, #tpu.memory_space<hbm>>
    %dma_wait3A_213 = tpu.memref_slice %arg7[%dma_wait3A_206] : memref<4x!tpu.dma_semaphore, #tpu.memory_space<semaphore_mem>> -> memref<1x!tpu.dma_semaphore, #tpu.memory_space<semaphore_mem>>
    %dma_wait3A_214 = tpu.memref_squeeze %dma_wait3A_213 : memref<1x!tpu.dma_semaphore, #tpu.memory_space<semaphore_mem>> -> memref<!tpu.dma_semaphore, #tpu.memory_space<semaphore_mem>>
    %dma_wait3A_215 = arith.constant 64 : i32
    %dma_wait3A_216 = arith.constant 0 : i32
    %dma_wait3A_217 = tpu.memref_slice %arg6[%dma_wait3A_215, %dma_wait3A_216] : memref<128x768xf32, #tpu.memory_space<vmem>> -> memref<32x768xf32, #tpu.memory_space<vmem>>
    %dma_wait3A_218 = arith.constant 0 : i32
    %dma_wait3A_219 = tpu.memref_slice %arg2[%dma_wait3A_205, %add3A_39, %dma_wait3A_218] : memref<50x4096x768xf32, #tpu.memory_space<hbm>> -> memref<1x32x768xf32, #tpu.memory_space<hbm>>
    %dma_wait3A_220 = tpu.memref_squeeze %dma_wait3A_219 : memref<1x32x768xf32, #tpu.memory_space<hbm>> -> memref<32x768xf32, #tpu.memory_space<hbm>>
    tpu.wait_dma2 semaphore(%dma_wait3A_214 : memref<!tpu.dma_semaphore, #tpu.memory_space<semaphore_mem>>) src(%dma_wait3A_220 : memref<32x768xf32, #tpu.memory_space<hbm>>) dst(%dma_wait3A_217 : memref<32x768xf32, #tpu.memory_space<vmem>>)
    %dma_start3A_221 = arith.constant 2 : i32
    %dma_start3A_222 = arith.constant 64 : i32
    %dma_start3A_223 = arith.constant 0 : i32
    %dma_start3A_224 = tpu.memref_slice %arg6[%dma_start3A_222, %dma_start3A_223] : memref<128x768xf32, #tpu.memory_space<vmem>> -> memref<32x768xf32, #tpu.memory_space<vmem>>
    %dma_start3A_225 = arith.constant 0 : i32
    %dma_start3A_226 = tpu.memref_slice %arg5[%dma_start3A_221, %dma_start3A_225] : memref<4x32xi32, #tpu.memory_space<vmem>> -> memref<1x32xi32, #tpu.memory_space<vmem>>
    %dma_start3A_227 = tpu.memref_squeeze %dma_start3A_226 : memref<1x32xi32, #tpu.memory_space<vmem>> -> memref<32xi32, #tpu.memory_space<vmem>>
    %dma_start3A_228 = arith.constant 0 : i32
    %dma_start3A_229 = arith.constant 0 : i32
    %dma_start3A_230 = tpu.memref_slice %arg4[%dma_start3A_228, %dma_start3A_229] : memref<4096x768xf32, #tpu.memory_space<hbm>> -> memref<4096x768xf32, #tpu.memory_space<hbm>>
    tpu.enqueue_indirect_dma source(%dma_start3A_224 : memref<32x768xf32, #tpu.memory_space<vmem>>) target(%dma_start3A_230 : memref<4096x768xf32, #tpu.memory_space<hbm>>) offsets(%dma_start3A_227 : memref<32xi32, #tpu.memory_space<vmem>>) semaphore(%arg9 : memref<!tpu.dma_semaphore, #tpu.memory_space<semaphore_mem>>)
    %dma_wait3A_231 = arith.constant 0 : i32
    %dma_wait3A_232 = arith.constant 3 : i32
    %dma_wait3A_233 = arith.constant 96 : i32
    %dma_wait3A_234 = arith.constant 0 : i32
    %dma_wait3A_235 = tpu.memref_slice %arg6[%dma_wait3A_233, %dma_wait3A_234] : memref<128x768xf32, #tpu.memory_space<vmem>> -> memref<32x768xf32, #tpu.memory_space<vmem>>
    %dma_wait3A_236 = arith.constant 0 : i32
    %dma_wait3A_237 = tpu.memref_slice %arg2[%dma_wait3A_231, %add3A_57, %dma_wait3A_236] : memref<50x4096x768xf32, #tpu.memory_space<hbm>> -> memref<1x32x768xf32, #tpu.memory_space<hbm>>
    %dma_wait3A_238 = tpu.memref_squeeze %dma_wait3A_237 : memref<1x32x768xf32, #tpu.memory_space<hbm>> -> memref<32x768xf32, #tpu.memory_space<hbm>>
    %dma_wait3A_239 = tpu.memref_slice %arg7[%dma_wait3A_232] : memref<4x!tpu.dma_semaphore, #tpu.memory_space<semaphore_mem>> -> memref<1x!tpu.dma_semaphore, #tpu.memory_space<semaphore_mem>>
    %dma_wait3A_240 = tpu.memref_squeeze %dma_wait3A_239 : memref<1x!tpu.dma_semaphore, #tpu.memory_space<semaphore_mem>> -> memref<!tpu.dma_semaphore, #tpu.memory_space<semaphore_mem>>
    %dma_wait3A_241 = arith.constant 96 : i32
    %dma_wait3A_242 = arith.constant 0 : i32
    %dma_wait3A_243 = tpu.memref_slice %arg6[%dma_wait3A_241, %dma_wait3A_242] : memref<128x768xf32, #tpu.memory_space<vmem>> -> memref<32x768xf32, #tpu.memory_space<vmem>>
    %dma_wait3A_244 = arith.constant 0 : i32
    %dma_wait3A_245 = tpu.memref_slice %arg2[%dma_wait3A_231, %add3A_57, %dma_wait3A_244] : memref<50x4096x768xf32, #tpu.memory_space<hbm>> -> memref<1x32x768xf32, #tpu.memory_space<hbm>>
    %dma_wait3A_246 = tpu.memref_squeeze %dma_wait3A_245 : memref<1x32x768xf32, #tpu.memory_space<hbm>> -> memref<32x768xf32, #tpu.memory_space<hbm>>
    tpu.wait_dma2 semaphore(%dma_wait3A_240 : memref<!tpu.dma_semaphore, #tpu.memory_space<semaphore_mem>>) src(%dma_wait3A_246 : memref<32x768xf32, #tpu.memory_space<hbm>>) dst(%dma_wait3A_243 : memref<32x768xf32, #tpu.memory_space<vmem>>)
    %dma_start3A_247 = arith.constant 3 : i32
    %dma_start3A_248 = arith.constant 96 : i32
    %dma_start3A_249 = arith.constant 0 : i32
    %dma_start3A_250 = tpu.memref_slice %arg6[%dma_start3A_248, %dma_start3A_249] : memref<128x768xf32, #tpu.memory_space<vmem>> -> memref<32x768xf32, #tpu.memory_space<vmem>>
    %dma_start3A_251 = arith.constant 0 : i32
    %dma_start3A_252 = tpu.memref_slice %arg5[%dma_start3A_247, %dma_start3A_251] : memref<4x32xi32, #tpu.memory_space<vmem>> -> memref<1x32xi32, #tpu.memory_space<vmem>>
    %dma_start3A_253 = tpu.memref_squeeze %dma_start3A_252 : memref<1x32xi32, #tpu.memory_space<vmem>> -> memref<32xi32, #tpu.memory_space<vmem>>
    %dma_start3A_254 = arith.constant 0 : i32
    %dma_start3A_255 = arith.constant 0 : i32
    %dma_start3A_256 = tpu.memref_slice %arg4[%dma_start3A_254, %dma_start3A_255] : memref<4096x768xf32, #tpu.memory_space<hbm>> -> memref<4096x768xf32, #tpu.memory_space<hbm>>
    tpu.enqueue_indirect_dma source(%dma_start3A_250 : memref<32x768xf32, #tpu.memory_space<vmem>>) target(%dma_start3A_256 : memref<4096x768xf32, #tpu.memory_space<hbm>>) offsets(%dma_start3A_253 : memref<32xi32, #tpu.memory_space<vmem>>) semaphore(%arg9 : memref<!tpu.dma_semaphore, #tpu.memory_space<semaphore_mem>>)
    %dma_wait3A_257 = arith.constant 0 : i32
    %dma_wait3A_258 = arith.constant 0 : i32
    %dma_wait3A_259 = arith.constant 0 : i32
    %dma_wait3A_260 = tpu.memref_slice %arg6[%dma_wait3A_258, %dma_wait3A_259] : memref<128x768xf32, #tpu.memory_space<vmem>> -> memref<32x768xf32, #tpu.memory_space<vmem>>
    %dma_wait3A_261 = arith.constant 0 : i32
    %dma_wait3A_262 = tpu.memref_slice %arg5[%dma_wait3A_257, %dma_wait3A_261] : memref<4x32xi32, #tpu.memory_space<vmem>> -> memref<1x32xi32, #tpu.memory_space<vmem>>
    %dma_wait3A_263 = tpu.memref_squeeze %dma_wait3A_262 : memref<1x32xi32, #tpu.memory_space<vmem>> -> memref<32xi32, #tpu.memory_space<vmem>>
    %dma_wait3A_264 = arith.constant 0 : i32
    %dma_wait3A_265 = arith.constant 0 : i32
    %dma_wait3A_266 = tpu.memref_slice %arg4[%dma_wait3A_264, %dma_wait3A_265] : memref<4096x768xf32, #tpu.memory_space<hbm>> -> memref<4096x768xf32, #tpu.memory_space<hbm>>
    tpu.wait_indirect_dma semaphore(%arg9 : memref<!tpu.dma_semaphore, #tpu.memory_space<semaphore_mem>>) src(%dma_wait3A_260 : memref<32x768xf32, #tpu.memory_space<vmem>>) dst(%dma_wait3A_266 : memref<4096x768xf32, #tpu.memory_space<hbm>>)
    %dma_wait3A_267 = arith.constant 1 : i32
    %dma_wait3A_268 = arith.constant 32 : i32
    %dma_wait3A_269 = arith.constant 0 : i32
    %dma_wait3A_270 = tpu.memref_slice %arg6[%dma_wait3A_268, %dma_wait3A_269] : memref<128x768xf32, #tpu.memory_space<vmem>> -> memref<32x768xf32, #tpu.memory_space<vmem>>
    %dma_wait3A_271 = arith.constant 0 : i32
    %dma_wait3A_272 = tpu.memref_slice %arg5[%dma_wait3A_267, %dma_wait3A_271] : memref<4x32xi32, #tpu.memory_space<vmem>> -> memref<1x32xi32, #tpu.memory_space<vmem>>
    %dma_wait3A_273 = tpu.memref_squeeze %dma_wait3A_272 : memref<1x32xi32, #tpu.memory_space<vmem>> -> memref<32xi32, #tpu.memory_space<vmem>>
    %dma_wait3A_274 = arith.constant 0 : i32
    %dma_wait3A_275 = arith.constant 0 : i32
    %dma_wait3A_276 = tpu.memref_slice %arg4[%dma_wait3A_274, %dma_wait3A_275] : memref<4096x768xf32, #tpu.memory_space<hbm>> -> memref<4096x768xf32, #tpu.memory_space<hbm>>
    tpu.wait_indirect_dma semaphore(%arg9 : memref<!tpu.dma_semaphore, #tpu.memory_space<semaphore_mem>>) src(%dma_wait3A_270 : memref<32x768xf32, #tpu.memory_space<vmem>>) dst(%dma_wait3A_276 : memref<4096x768xf32, #tpu.memory_space<hbm>>)
    %dma_wait3A_277 = arith.constant 2 : i32
    %dma_wait3A_278 = arith.constant 64 : i32
    %dma_wait3A_279 = arith.constant 0 : i32
    %dma_wait3A_280 = tpu.memref_slice %arg6[%dma_wait3A_278, %dma_wait3A_279] : memref<128x768xf32, #tpu.memory_space<vmem>> -> memref<32x768xf32, #tpu.memory_space<vmem>>
    %dma_wait3A_281 = arith.constant 0 : i32
    %dma_wait3A_282 = tpu.memref_slice %arg5[%dma_wait3A_277, %dma_wait3A_281] : memref<4x32xi32, #tpu.memory_space<vmem>> -> memref<1x32xi32, #tpu.memory_space<vmem>>
    %dma_wait3A_283 = tpu.memref_squeeze %dma_wait3A_282 : memref<1x32xi32, #tpu.memory_space<vmem>> -> memref<32xi32, #tpu.memory_space<vmem>>
    %dma_wait3A_284 = arith.constant 0 : i32
    %dma_wait3A_285 = arith.constant 0 : i32
    %dma_wait3A_286 = tpu.memref_slice %arg4[%dma_wait3A_284, %dma_wait3A_285] : memref<4096x768xf32, #tpu.memory_space<hbm>> -> memref<4096x768xf32, #tpu.memory_space<hbm>>
    tpu.wait_indirect_dma semaphore(%arg9 : memref<!tpu.dma_semaphore, #tpu.memory_space<semaphore_mem>>) src(%dma_wait3A_280 : memref<32x768xf32, #tpu.memory_space<vmem>>) dst(%dma_wait3A_286 : memref<4096x768xf32, #tpu.memory_space<hbm>>)
    %dma_wait3A_287 = arith.constant 3 : i32
    %dma_wait3A_288 = arith.constant 96 : i32
    %dma_wait3A_289 = arith.constant 0 : i32
    %dma_wait3A_290 = tpu.memref_slice %arg6[%dma_wait3A_288, %dma_wait3A_289] : memref<128x768xf32, #tpu.memory_space<vmem>> -> memref<32x768xf32, #tpu.memory_space<vmem>>
    %dma_wait3A_291 = arith.constant 0 : i32
    %dma_wait3A_292 = tpu.memref_slice %arg5[%dma_wait3A_287, %dma_wait3A_291] : memref<4x32xi32, #tpu.memory_space<vmem>> -> memref<1x32xi32, #tpu.memory_space<vmem>>
    %dma_wait3A_293 = tpu.memref_squeeze %dma_wait3A_292 : memref<1x32xi32, #tpu.memory_space<vmem>> -> memref<32xi32, #tpu.memory_space<vmem>>
    %dma_wait3A_294 = arith.constant 0 : i32
    %dma_wait3A_295 = arith.constant 0 : i32
    %dma_wait3A_296 = tpu.memref_slice %arg4[%dma_wait3A_294, %dma_wait3A_295] : memref<4096x768xf32, #tpu.memory_space<hbm>> -> memref<4096x768xf32, #tpu.memory_space<hbm>>
    tpu.wait_indirect_dma semaphore(%arg9 : memref<!tpu.dma_semaphore, #tpu.memory_space<semaphore_mem>>) src(%dma_wait3A_290 : memref<32x768xf32, #tpu.memory_space<vmem>>) dst(%dma_wait3A_296 : memref<4096x768xf32, #tpu.memory_space<hbm>>)
    return
  }
}

</mosaic_0001>

<sc_bundles>
// kernel: kernel.3.cloned.1.call-start
scs
__scs_entry_jumppad:
0x0: {  	(pc) =	sbr.rel $0x88, $3  }
0x1: {  	(tag) =	ssettag $0x0;
	lr =	simm.s32 $0x1  }
0x2: {  	[smem:$0x3F9E] =	sst lr;
	_ =	strace $0xD0000000  }
0x3: {  	_ = 	snop  }
0x4: {  	_ = 	snop  }
0x5: {  	_ = 	snop  }
0x6: {  	_ = 	snop  }
0x7: {  	_ = 	snop  }
__scs_overlays_trampoline_lowered:
0x8: {  	[smem:$0x3FAD] =	sst s0  }
0x9: {  	[smem:$0x3FAE] =	sst s1  }
0xa: {  	[smem:$0x3FAF] =	sst s2  }
0xb: {  	[smem:$0x3FB0] =	sst s3  }
0xc: {  	[smem:$0x3FB1] =	sst s4  }
0xd: {  	[smem:$0x3FB2] =	sst s5  }
0xe: {  	[smem:$0x3FB3] =	sst s6  }
0xf: {  	[smem:$0x3FB4] =	sst s7  }
0x10: {  	[smem:$0x3FB5] =	sst s8  }
0x11: {  	[smem:$0x3FB6] =	sst s9;
	s0 =	simm.s32 @!p0 $0x0  }
0x12: {  	s1 =	sld [smem:$0x3F9C];
	s0 =	simm.s32 @p0 $0x1  }
0x13: {  	[smem:$0x3FB7] =	sst s0;
	s0 =	simm.s32 @!p1 $0x0  }
0x14: {  	s2 =	sld [smem:$0x3F9B];
	s0 =	simm.s32 @p1 $0x1  }
0x15: {  	[smem:$0x3FB8] =	sst s0;
	s0 =	simm.s32 @!p2 $0x0  }
0x16: {  	s3 =	sld [smem:$0x3FDB];
	s0 =	simm.s32 @p2 $0x1  }
0x17: {  	s4 =	simm.s32 $0x1BF5;
	[smem:$0x3FBA] =	sst s0  }
0x18: {  	s0 =	sld [smem:$0x3F9D];
	_ =	swait.ge [sflag:s4], $0x0  }
0x19: {  	s7 =	sld [smem:$0x3F9E]  }
0x1a: {  	s8 =	sadd.s32 $0xFFFFE003, lr  }
0x1b: {  	s9 =	sadd.s32 $0xFFFFFEF7, lr;
	s5 =	simm.s32 $0xFFFFFFFF;
	p2 =	slt.u32 s8, $0xFFFFF086  }
0x1c: {  	p1 =	slt.u32 s9, $0xF7A;
	s5 =	simm.s32 @!p2 $0x0  }
0x1d: {  	s5 =	simm.s32 @p1 $0x1;
	p0 =	seq.s32 s7, s2  }
0x1e: {  	s7 =	smul.u32 @!p0 $0xF7A, s2;
	p2 =	seq.s32 @!p0 s5, $0x0  }
0x1f: {  	s9 =	smul.u32 $0xF7A, s1;
	s8 =	simm.s32 @!p0 $0x1BF5;
	p2 =	por !p2, p0  }
0x20: {  	[sflag:s8] =	ssyncset.s32 @!p0 $0xFFFFF086;
	s6 =	sadd.s32 @!p0 s3, s7;
	s7 =	simm.s32 @!p0 $0x108  }
0x21: {  	s3 =	sadd.s32 s3, s9;
	s6 =	sadd.s32 @!p0 $0x88, s6;
	s7 =	simm.s32 @p2 $0x1082  }
0x22: {  	[simem:s7], [sflag:s8] =	dma.local @!p0 [hbm:s6], $0xF7A  }
0x23: {  	s9 =	sor.u32 $0xD0000000, s2;
	s6 =	simm.s32 $0x108;
	_ =	swait.ge @!p0 [sflag:s8], $0x0  }
0x24: {  	s3 =	sadd.s32 $0x88, s3;
	s6 =	simm.s32 @!p1 $0x1082;
	[sflag:s4] =	ssyncset.s32 $0xFFFFF086  }
0x25: {  	[simem:s6], [sflag:s4] =	dma.local [hbm:s3], $0xF7A  }
0x26: {  	[smem:$0x3F9E] =	sst s1;
	(tag) =	ssettag s2;
	_ =	strace s9  }
0x27: {  	s1 =	sld [smem:$0x3FAE]  }
0x28: {  	s2 =	sld [smem:$0x3FAF]  }
0x29: {  	s4 =	sld [smem:$0x3FB1]  }
0x2a: {  	p0 =	seq.s32 s5, $0x0;
	s5 =	sld [smem:$0x3FB2]  }
0x2b: {  	s6 =	sld [smem:$0x3FB3]  }
0x2c: {  	s7 =	sld [smem:$0x3FB4]  }
0x2d: {  	s3 =	simm.s32 $0x108;
	s8 =	sld [smem:$0x3FB5]  }
0x2e: {  	s3 =	simm.s32 @!p0 $0x1082;
	s9 =	sld [smem:$0x3FB6]  }
0x2f: {  	lr =	sadd.s32 s0, s3;
	s0 =	sld [smem:$0x3FAD]  }
0x30: {  	s3 =	sld [smem:$0x3FB0]  }
0x31: {  	[smem:$0x3FB9] =	sst s10  }
0x32: {  	s10 =	sld [smem:$0x3FB7];
	_ =	sdelay $0x3  }
0x33: {  	p0 =	seq.s32 s10, $0x1;
	s10 =	sld [smem:$0x3FB9];
	_ =	sdelay $0x3  }
0x34: {  	[smem:$0x3FB9] =	sst s10  }
0x35: {  	s10 =	sld [smem:$0x3FB8];
	_ =	sdelay $0x3  }
0x36: {  	p1 =	seq.s32 s10, $0x1;
	s10 =	sld [smem:$0x3FB9];
	_ =	sdelay $0x3  }
0x37: {  	[smem:$0x3FB9] =	sst s10  }
0x38: {  	s10 =	sld [smem:$0x3FBA]  }
0x39: {  	_ = 	snop;
	(pc) =	sbr.ind lr, $3  }
0x3a: {  	_ = 	snop  }
0x3b: {  	_ = 	snop  }
0x3c: {  	p2 =	seq.s32 s10, $0x1;
	s10 =	sld [smem:$0x3FB9]  }
0x3d: {  	_ =	shalt  }
0x3e: {  	_ =	shalt  }
0x3f: {  	_ =	shalt  }
0x40: {  	_ =	shalt  }
0x41: {  	_ =	shalt  }
0x42: {  	_ =	shalt  }
0x43: {  	_ =	shalt  }
0x44: {  	_ =	shalt  }
0x45: {  	_ =	shalt  }
0x46: {  	_ =	shalt  }
0x47: {  	_ =	shalt  }
0x48: {  	_ =	shalt  }
0x49: {  	_ =	shalt  }
0x4a: {  	_ =	shalt  }
0x4b: {  	_ =	shalt  }
0x4c: {  	_ =	shalt  }
0x4d: {  	_ =	shalt  }
0x4e: {  	_ =	shalt  }
0x4f: {  	_ =	shalt  }
0x50: {  	_ =	shalt  }
0x51: {  	_ =	shalt  }
0x52: {  	_ =	shalt  }
0x53: {  	_ =	shalt  }
0x54: {  	_ =	shalt  }
0x55: {  	_ =	shalt  }
0x56: {  	_ =	shalt  }
0x57: {  	_ =	shalt  }
0x58: {  	_ =	shalt  }
0x59: {  	_ =	shalt  }
0x5a: {  	_ =	shalt  }
0x5b: {  	_ =	shalt  }
0x5c: {  	_ =	shalt  }
0x5d: {  	_ =	shalt  }
0x5e: {  	_ =	shalt  }
0x5f: {  	_ =	shalt  }
0x60: {  	_ =	shalt  }
0x61: {  	_ =	shalt  }
0x62: {  	_ =	shalt  }
0x63: {  	_ =	shalt  }
0x64: {  	_ =	shalt  }
0x65: {  	_ =	shalt  }
0x66: {  	_ =	shalt  }
0x67: {  	_ =	shalt  }
0x68: {  	_ =	shalt  }
0x69: {  	_ =	shalt  }
0x6a: {  	_ =	shalt  }
0x6b: {  	_ =	shalt  }
0x6c: {  	_ =	shalt  }
0x6d: {  	_ =	shalt  }
0x6e: {  	_ =	shalt  }
0x6f: {  	_ =	shalt  }
0x70: {  	_ =	shalt  }
0x71: {  	_ =	shalt  }
0x72: {  	_ =	shalt  }
0x73: {  	_ =	shalt  }
0x74: {  	_ =	shalt  }
0x75: {  	_ =	shalt  }
0x76: {  	_ =	shalt  }
0x77: {  	_ =	shalt  }
0x78: {  	_ =	shalt  }
0x79: {  	_ =	shalt  }
0x7a: {  	_ =	shalt  }
0x7b: {  	_ =	shalt  }
0x7c: {  	_ =	shalt  }
0x7d: {  	_ =	shalt  }
0x7e: {  	_ =	shalt  }
0x7f: {  	_ =	shalt  }
0x80: {  	_ =	shalt  }
0x81: {  	_ =	shalt  }
0x82: {  	_ =	shalt  }
0x83: {  	_ =	shalt  }
0x84: {  	_ =	shalt  }
0x85: {  	_ =	shalt  }
0x86: {  	_ =	shalt  }
0x87: {  	_ =	shalt  }
.Lfunc_end0:
.L_simem_size_0:
called_computation_lowered:
.L_overlay_start_0:
0x88: {  	s2 =	sld [smem:$0x3FD9]  }
0x89: {  	s3 =	sld [smem:$0x3FFE];
	_ =	sdelay $0x1  }
0x8a: {  	s1 =	srdreg.scid  }
0x8b: {  	s0 =	sand.u32 $0x1, s1  }
0x8c: {  	s15 =	sshll.u32 s0, $0xA;
	s2 =	sadd.s32 s3, s2  }
0x8d: {  	s2 =	sadd.s32 s2, s15  }
0x8e: {  	[smem:$0x3FC5] =	sst s2  }
0x8f: {  	_ = 	snop  }
0x90: {  	s2 =	sld [smem:$0x3FD0];
	_ =	sdelay $0x1  }
0x91: {  	s16 =	sld [smem:$0x3FC9]  }
0x92: {  	s5 =	simm.s32 $0xA;
	s6 =	simm.s32 $0x10;
	s4 =	sld [smem:$0x3FC8]  }
0x93: {  	[smem:s6], [sflag:s5] =	dma.local [hbm:s2], $0x1  }
0x94: {  	_ =	swait.eq [sflag:s5], $0x1  }
0x95: {  	[sflag:s5] =	ssyncset.done $0x0  }
0x96: {  	[sflag:s5] =	ssyncadd.s32 $0xFFFFFFFF  }
0x97: {  	s17 =	sld [smem:$0x10];
	(tm) =	ssettm $0x1  }
0x98: {  	s18 =	sld [smem:$0x3FFB];
	_ =	sdelay $0x3  }
0x99: {  	_ =	strace s18  }
0x9a: {  	s5 =	sld [smem:$0x3FFC];
	_ =	sdelay $0x3  }
0x9b: {  	_ =	strace s5  }
0x9c: {  	s5 =	sld [smem:$0x3FFD];
	_ =	sdelay $0x3  }
0x9d: {  	_ =	strace s5  }
0x9e: {  	_ =	strace $0x8FFFFFFF  }
0x9f: {  	s19 =	sld [smem:$0x3FDB];
	_ =	sdelay $0x1  }
0xa0: {  	s20 =	simm.s32 $_scs_section_size  }
0xa1: {  	s7 =	simm.s32 $_size__tile_overlayer_lowered;
	s8 =	simm.s32 $_tile_overlayer_lowered  }
0xa2: {  	s23 =	simm.s32 $0x1BFF;
	s22 =	sshll.u32 s8, $0x1;
	s5 =	sadd.s32 s20, s19  }
0xa3: {  	s9 =	simm.s32 $0x0;
	s21 =	sshll.u32 s7, $0x1;
	s7 =	sadd.s32 s22, s5  }
0xa4: {  	[timem:s9], [sflag:s23] =	dma.local [hbm:s7], s21  }
0xa5: {  	_ =	swait.ge [sflag:s23], s21  }
0xa6: {  	s6 =	ssub.s32 $0x0, s21;
	[sflag:s23] =	ssyncset.done $0x0  }
0xa7: {  	[sflag:s23] =	ssyncadd.s32 s6;
	_ =	sdelay $0x1  }
0xa8: {  	s24 =	simm.s32 $0x1B8B  }
0xa9: {  	_ =	swait.ge [sflag:s24], $0x1  }
0xaa: {  	[sflag:s24] =	ssyncset.done $0x0  }
0xab: {  	s25 =	simm.s32 $0x1B8E;
	[sflag:s24] =	ssyncadd.s32 $0xFFFFFFFF  }
0xac: {  	s26 =	simm.s32 $execute0_lowered;
	[smem:$0x3FD2] =	sst s25  }
0xad: {  	s6 =	sshll.u32 s26, $0x1;
	_ =	strace $0x80000046;
	[dreg:$0x1] =	wrdreg $0xFFFFFFFF  }
0xae: {  	s28 =	simm.s32 $_size_execute0_lowered;
	s5 =	sadd.s32 s5, s6;
	[dreg:$0x0] =	wrdreg $0x0  }
0xaf: {  	s6 =	sshll.u32 s28, $0x1;
	[dreg:$0x2] =	wrdreg s5  }
0xb0: {  	[dreg:$0x3] =	wrdreg s6  }
0xb1: {  	[dreg:$0x4] =	wrdreg $0xC0  }
0xb2: {  	_ =	task [dreg:s9], $0x5FFFF  }
0xb3: {  	[dreg:$0x1] =	wrdreg $0xFFFFFFFF  }
0xb4: {  	[dreg:$0x0] =	wrdreg $0x60  }
0xb5: {  	[dreg:$0x2] =	wrdreg s16  }
0xb6: {  	[dreg:$0x3] =	wrdreg s4  }
0xb7: {  	[dreg:$0x4] =	wrdreg s17  }
0xb8: {  	[dreg:$0x5] =	wrdreg $0x9  }
0xb9: {  	_ =	task.clear_ibuf [dreg:s9], $0x6FFFF;
	_ =	strace $0x90000046  }
0xba: {  	s29 =	simm.s32 $0x9;
	_ =	strace $0x80000048  }
0xbb: {  	_ =	swait.ge [sflag:s29], $0x1  }
0xbc: {  	[sflag:s29] =	ssyncadd.s32 $0xFFFFFFFF  }
0xbd: {  	_ =	strace $0x90000048  }
0xbe: {  	_ =	sfence  }
0xbf: {  	s30 =	sld [smem:$0x0];
	_ =	sdelay $0x2  }
0xc0: {  	s31 =	sshll.u32 s1, $0xD;
	s1 =	sshrl.u32 s1, $0x2  }
0xc1: {  	s3 =	sand.u32 $0x4000, s31;
	s1 =	sadd.s32 s1, s30  }
0xc2: {  	s0 =	sor.u32 s3, s0;
	s1 =	sshll.u32 s1, $0x11  }
0xc3: {  	s0 =	sor.u32 s1, s0  }
0xc4: {  	s0 =	sadd.s32 $0x8F2B, s0  }
0xc5: {  	[sflag:s0] =	ssyncadd.remote.s32 $0x1  }
0xc6: {  	_ =	sfence.sel $0xFFFF  }
0xc7: {  	[dreg:$0x0] =	wrdreg $0xFFFFFFFF;
	(pc) =	sbr.abs _section_cstart, $3  }
0xc8: {  	[dreg:$0x1] =	wrdreg $0xFFFFFFFF  }
0xc9: {  	_ =	task.clear_ibuf [dreg:s9], $0x2FFFF;
	_ =	strace $0x9FFFFFFF  }
0xca: {  	(tm) =	ssettm $0x7FFFFFFF  }
0xcb: {  	_ =	shalt  }
tec
execute0_lowered:
.L_overlay_start_1:
0x0: {  	(tag) =	ssettag $0x1  }
0x1: {  	s4 =	rddreg [dreg:$0x0]  }
0x2: {  	s5 =	rddreg [dreg:$0x1]  }
0x3: {  	s2 =	rddreg [dreg:$0x2];
	s3 =	simm.s32 $0x0  }
0x4: {  	s17 =	simm.s32 $0x80;
	[smem:$0x7FF] =	sst s3  }
0x5: {  	s18 =	simm.s32 $0x100;
	_ =	strace $0x80000047;
	[dreg:$0xc] =	wrdreg s17  }
0x6: {  	s19 =	simm.s32 $0x180;
	[dreg:$0xd] =	wrdreg s18  }
0x7: {  	s20 =	simm.s32 $0xA00;
	[dreg:$0xe] =	wrdreg s19  }
0x8: {  	s21 =	simm.s32 $0x1200;
	[dreg:$0xf] =	wrdreg s20  }
0x9: {  	s22 =	simm.s32 $0x1A00;
	[dreg:$0x10] =	wrdreg s21  }
0xa: {  	s23 =	simm.s32 $0x2200;
	[dreg:$0x11] =	wrdreg s22  }
0xb: {  	s1 =	srdreg.scid;
	s24 =	simm.s32 $0x2A00;
	[dreg:$0x12] =	wrdreg s23  }
0xc: {  	s0 =	stileid.u32;
	s25 =	simm.s32 $0x3200;
	[dreg:$0x13] =	wrdreg s24  }
0xd: {  	s28 =	simm.s32 $0x16200;
	[dreg:$0x14] =	wrdreg s25;
	s17 =	simm.s32 $0xAA00  }
0xe: {  	s29 =	simm.s32 $0x16A00;
	s18 =	simm.s32 $0xB200;
	[smem:$0x7F4] =	sst s17  }
0xf: {  	s30 =	simm.s32 $0x17200;
	s19 =	simm.s32 $0xBA00;
	[smem:$0x7F5] =	sst s18  }
0x10: {  	s31 =	simm.s32 $0x17A00;
	s20 =	simm.s32 $0xCA00;
	[smem:$0x7F6] =	sst s19  }
0x11: {  	s1 =	sand.u32 $0x1, s1;
	s21 =	simm.s32 $0xD200;
	[smem:$0x7F7] =	sst s20  }
0x12: {  	s7 =	sshll.u32 s0, $0x4;
	s22 =	simm.s32 $0xDA00;
	[smem:$0x7F8] =	sst s21  }
0x13: {  	s6 =	sshll.u32 s1, $0x8;
	s23 =	simm.s32 $0xE200;
	[smem:$0x7F9] =	sst s22  }
0x14: {  	s1 =	ssub.s32 $0x2, s1;
	s24 =	simm.s32 $0xEA00;
	[smem:$0x7FA] =	sst s23  }
0x15: {  	s25 =	simm.s32 $0xF200;
	s6 =	sor.u32 s7, s6;
	[smem:$0x7FB] =	sst s24  }
0x16: {  	[smem:$0x7FC] =	sst s25;
	s18 =	simm.s32 $0x11A00;
	s19 =	simm.s32 $0x4  }
0x17: {  	s20 =	simm.s32 $0x12A00;
	s21 =	simm.s32 $0x13200;
	s7 =	smul.u32 $0x300, s6  }
0x18: {  	s8 =	sor.u32 $0x4, s6;
	s10 =	sor.u32 $0x8, s6;
	s13 =	sadd.s32 s5, s6  }
0x19: {  	s12 =	sor.u32 $0xC, s6;
	s6 =	simm.s32 $0x5200;
	[dreg:$0x8] =	wrdreg s13  }
0x1a: {  	s22 =	simm.s32 $0x13A00;
	s14 =	sadd.s32 s5, s8;
	[dreg:$0x18] =	wrdreg s6  }
0x1b: {  	s23 =	simm.s32 $0x14200;
	s15 =	sadd.s32 s5, s10;
	[dreg:$0x9] =	wrdreg s14  }
0x1c: {  	s24 =	simm.s32 $0x14A00;
	s16 =	sadd.s32 s5, s12;
	[dreg:$0xa] =	wrdreg s15  }
0x1d: {  	s25 =	simm.s32 $0x15200;
	s5 =	simm.s32 $0x4A00;
	[dreg:$0xb] =	wrdreg s16  }
0x1e: {  	s9 =	smul.u32 $0x300, s8;
	s8 =	simm.s32 $0x6A00;
	[dreg:$0x17] =	wrdreg s5  }
0x1f: {  	s11 =	smul.u32 $0x300, s10;
	s10 =	simm.s32 $0x7A00;
	[dreg:$0x1a] =	wrdreg s8  }
0x20: {  	s0 =	smul.u32 $0x300, s12;
	s12 =	simm.s32 $0x8A00;
	[dreg:$0x1c] =	wrdreg s10  }
0x21: {  	s13 =	sshrl.u32 s1, $0x1;
	s7 =	sadd.s32 s4, s7;
	[dreg:$0x1e] =	wrdreg s12  }
0x22: {  	s14 =	simm.s32 $0x9200;
	s1 =	ssub.s32 s1, s13;
	[dreg:$0x4] =	wrdreg s7  }
0x23: {  	s15 =	simm.s32 $0x9A00;
	s16 =	simm.s32 $0xA200;
	[dreg:$0x1f] =	wrdreg s14  }
0x24: {  	s5 =	sadd.s32 $0x200, s2;
	s8 =	simm.s32 $0x6200;
	[smem:$0x7F2] =	sst s15  }
0x25: {  	s10 =	simm.s32 $0x12200;
	s26 =	sadd.s32 s4, s9;
	[smem:$0x7F3] =	sst s16  }
0x26: {  	s12 =	simm.s32 $0x1;
	s11 =	sadd.s32 s4, s11;
	[dreg:$0x5] =	wrdreg s26  }
0x27: {  	s13 =	simm.s32 $0x2;
	s4 =	sadd.s32 s4, s0;
	[dreg:$0x6] =	wrdreg s11  }
0x28: {  	s0 =	simm.s32 $0x4200;
	s7 =	simm.s32 $0x5A00;
	[dreg:$0x7] =	wrdreg s4  }
0x29: {  	s9 =	simm.s32 $0x7200;
	s6 =	smax.u32 s1, $0x1;
	[dreg:$0x16] =	wrdreg s0  }
0x2a: {  	s14 =	simm.s32 $0x3;
	s1 =	simm.s32 $0x6;
	[dreg:$0x19] =	wrdreg s7  }
0x2b: {  	s26 =	simm.s32 $0x3A00;
	[dreg:$0x1b] =	wrdreg s9;
	s11 =	simm.s32 $0x8200  }
0x2c: {  	v2 =	vlaneseq.u32;
	s4 =	sadd.s32 $0x100, s2;
	s7 =	simm.s32 $0x200;
	[dreg:$0x15] =	wrdreg s26  }
0x2d: {  	vm0 =	vmmov $0xffff;
	v1 =	vshrl.u32 v2, $0x3;
	s9 =	simm.s32 $0xC200;
	[dreg:$0x1d] =	wrdreg s11;
	s26 =	simm.s32 $0xFA00  }
0x2e: {  	v0 =	vand.u32 $0x7, v2;
	v2 =	vor.u32 $0x8, v2;
	v1 =	vmul.u32 $0x8, v1;
	s11 =	simm.s32 $0x5;
	[smem:$0x7FD] =	sst s26;
	s26 =	simm.s32 $0x15A00  }
.LBB2_1:
0x2f: {  	s0 =	rddreg [dreg:$0x4]  }
0x30: {  	s15 =	rddreg [dreg:$0x5]  }
0x31: {  	s16 =	rddreg [dreg:$0x6]  }
0x32: {  	s17 =	rddreg [dreg:$0x7]  }
0x33: {  	[tilespmem:s7], [sflag:$0x1] =	stream.linear.gather [hbm4b:s0+s3], $0x6000, $0x38;
	[tilespmem:$0x18200] =	vst v63  }
0x34: {  	s0 =	rddreg [dreg:$0xa]  }
0x35: {  	[tilespmem:s8], [sflag:$0x2] =	stream.linear.gather [hbm4b:s15+s3], $0x6000, $0x38;
	[tilespmem:$0x18200] =	vst v63  }
0x36: {  	s15 =	rddreg [dreg:$0x8]  }
0x37: {  	[tilespmem:s9], [sflag:$0x3] =	stream.linear.gather [hbm4b:s16+s3], $0x6000, $0x38;
	[tilespmem:$0x18200] =	vst v63  }
0x38: {  	s16 =	rddreg [dreg:$0xc]  }
0x39: {  	[tilespmem:s10], [sflag:$0x4] =	stream.linear.gather [hbm4b:s17+s3], $0x6000, $0x38;
	[tilespmem:$0x18200] =	vst v63  }
0x3a: {  	s17 =	rddreg [dreg:$0x9]  }
0x3b: {  	[tilespmem:s3], [sflag:$0x5] =	stream.linear.gather [hbm4b:s15+s3], $0x20, $0x38;
	[tilespmem:$0x18200] =	vst v63  }
0x3c: {  	s15 =	rddreg [dreg:$0xd]  }
0x3d: {  	[tilespmem:s16], [sflag:$0x5] =	stream.linear.gather [hbm4b:s17+s3], $0x20, $0x38;
	[tilespmem:$0x18200] =	vst v63  }
0x3e: {  	s16 =	rddreg [dreg:$0xb]  }
0x3f: {  	[tilespmem:s15], [sflag:$0x5] =	stream.linear.gather [hbm4b:s0+s3], $0x20, $0x38;
	[tilespmem:$0x18200] =	vst v63  }
0x40: {  	s17 =	rddreg [dreg:$0xe]  }
0x41: {  	[tilespmem:s17], [sflag:$0x5] =	stream.linear.gather [hbm4b:s16+s3], $0x20, $0x38;
	[tilespmem:$0x18200] =	vst v63  }
0x42: {  	_ =	swait.ge [sflag:s11], $0x20  }
0x43: {  	[sflag:s11] =	ssyncset.done $0x0  }
0x44: {  	[sflag:s11] =	ssyncadd.s32 $0xFFFFFFE0  }
0x45: {  	_ =	swait.ge [sflag:s11], $0x20  }
0x46: {  	[sflag:s11] =	ssyncset.done $0x0  }
0x47: {  	[sflag:s11] =	ssyncadd.s32 $0xFFFFFFE0  }
0x48: {  	_ =	swait.ge [sflag:s11], $0x20  }
0x49: {  	[sflag:s11] =	ssyncset.done $0x0  }
0x4a: {  	[sflag:s11] =	ssyncadd.s32 $0xFFFFFFE0  }
0x4b: {  	_ =	swait.ge [sflag:s11], $0x20  }
0x4c: {  	[sflag:s11] =	ssyncset.done $0x0  }
0x4d: {  	[sflag:s11] =	ssyncadd.s32 $0xFFFFFFE0  }
0x4e: {  	_ =	swait.ge [sflag:s12], $0x6000  }
0x4f: {  	[sflag:s12] =	ssyncset.done $0x0  }
0x50: {  	[sflag:s12] =	ssyncadd.s32 $0xFFFFA000  }
0x51: {  	v3 =	vld [tilespmem:$0x0];
	_ =	sdelay $0x4  }
0x52: {  	v4 =	vshrl.u32 v3, $0x3  }
0x53: {  	v4 =	vmul.u32 $0x30, v4  }
0x54: {  	v3 =	vand.u32 $0x7, v3  }
0x55: {  	v3 =	vor.u32 v3, v4  }
0x56: {  	v4 =	vperm.xlane v3, v0;
	_ =	sdelay $0x1  }
0x57: {  	v4 =	vadd.s32 v1, v4;
	_ =	sdelay $0x3  }
0x58: {  	v3 =	vperm.xlane v3, v2  }
0x59: {  	[hbm4b:s2+s3] =	stream.indirect_vreg.scatter [tilespmem:s7], [sflag:$0x6], $0x80, v4, vm0, $0xb8;
	[tilespmem:$0x18200] =	vst v63  }
0x5a: {  	s15 =	rddreg [dreg:$0xf];
	v3 =	vadd.s32 v1, v3  }
0x5b: {  	[hbm4b:s4+s3] =	stream.indirect_vreg.scatter [tilespmem:s15], [sflag:$0x6], $0x80, v4, vm0, $0xb8;
	[tilespmem:$0x18200] =	vst v63  }
0x5c: {  	s16 =	rddreg [dreg:$0x10]  }
0x5d: {  	[hbm4b:s5+s3] =	stream.indirect_vreg.scatter [tilespmem:s16], [sflag:$0x6], $0x80, v4, vm0, $0xb8;
	[tilespmem:$0x18200] =	vst v63  }
0x5e: {  	s17 =	rddreg [dreg:$0x11]  }
0x5f: {  	[hbm4b:s2+s3] =	stream.indirect_vreg.scatter [tilespmem:s17], [sflag:$0x6], $0x80, v3, vm0, $0xb8;
	[tilespmem:$0x18200] =	vst v63  }
0x60: {  	s16 =	rddreg [dreg:$0x12]  }
0x61: {  	[hbm4b:s4+s3] =	stream.indirect_vreg.scatter [tilespmem:s16], [sflag:$0x6], $0x80, v3, vm0, $0xb8;
	[tilespmem:$0x18200] =	vst v63  }
0x62: {  	s17 =	rddreg [dreg:$0x13]  }
0x63: {  	[hbm4b:s5+s3] =	stream.indirect_vreg.scatter [tilespmem:s17], [sflag:$0x6], $0x80, v3, vm0, $0xb8;
	[tilespmem:$0x18200] =	vst v63  }
0x64: {  	v3 =	vld [tilespmem:$0x10];
	_ =	sdelay $0x4  }
0x65: {  	v57 =	vshrl.u32 v3, $0x3  }
0x66: {  	v4 =	vmul.u32 $0x30, v57  }
0x67: {  	v3 =	vand.u32 $0x7, v3  }
0x68: {  	v3 =	vor.u32 v3, v4  }
0x69: {  	v4 =	vperm.xlane v3, v0;
	_ =	sdelay $0x1  }
0x6a: {  	v4 =	vadd.s32 v1, v4;
	_ =	sdelay $0x3  }
0x6b: {  	s16 =	rddreg [dreg:$0x14];
	v3 =	vperm.xlane v3, v2  }
0x6c: {  	[hbm4b:s2+s3] =	stream.indirect_vreg.scatter [tilespmem:s16], [sflag:$0x6], $0x80, v4, vm0, $0xb8;
	[tilespmem:$0x18200] =	vst v63  }
0x6d: {  	s17 =	rddreg [dreg:$0x15];
	v3 =	vadd.s32 v1, v3  }
0x6e: {  	[hbm4b:s4+s3] =	stream.indirect_vreg.scatter [tilespmem:s17], [sflag:$0x6], $0x80, v4, vm0, $0xb8;
	[tilespmem:$0x18200] =	vst v63  }
0x6f: {  	s16 =	rddreg [dreg:$0x16]  }
0x70: {  	[hbm4b:s5+s3] =	stream.indirect_vreg.scatter [tilespmem:s16], [sflag:$0x6], $0x80, v4, vm0, $0xb8;
	[tilespmem:$0x18200] =	vst v63  }
0x71: {  	s17 =	rddreg [dreg:$0x17]  }
0x72: {  	[hbm4b:s2+s3] =	stream.indirect_vreg.scatter [tilespmem:s17], [sflag:$0x6], $0x80, v3, vm0, $0xb8;
	[tilespmem:$0x18200] =	vst v63  }
0x73: {  	s16 =	rddreg [dreg:$0x18]  }
0x74: {  	[hbm4b:s4+s3] =	stream.indirect_vreg.scatter [tilespmem:s16], [sflag:$0x6], $0x80, v3, vm0, $0xb8;
	[tilespmem:$0x18200] =	vst v63  }
0x75: {  	s17 =	rddreg [dreg:$0x19]  }
0x76: {  	[hbm4b:s5+s3] =	stream.indirect_vreg.scatter [tilespmem:s17], [sflag:$0x6], $0x80, v3, vm0, $0xb8;
	[tilespmem:$0x18200] =	vst v63  }
0x77: {  	_ =	swait.ge [sflag:s13], $0x6000  }
0x78: {  	[sflag:s13] =	ssyncset.done $0x0  }
0x79: {  	[sflag:s13] =	ssyncadd.s32 $0xFFFFA000  }
0x7a: {  	v3 =	vld [tilespmem:$0x80];
	_ =	sdelay $0x4  }
0x7b: {  	v58 =	vshrl.u32 v3, $0x3  }
0x7c: {  	v4 =	vmul.u32 $0x30, v58  }
0x7d: {  	v3 =	vand.u32 $0x7, v3  }
0x7e: {  	v3 =	vor.u32 v3, v4  }
0x7f: {  	v4 =	vperm.xlane v3, v0;
	_ =	sdelay $0x1  }
0x80: {  	v4 =	vadd.s32 v1, v4;
	_ =	sdelay $0x3  }
0x81: {  	v3 =	vperm.xlane v3, v2  }
0x82: {  	[hbm4b:s2+s3] =	stream.indirect_vreg.scatter [tilespmem:s8], [sflag:$0x6], $0x80, v4, vm0, $0xb8;
	[tilespmem:$0x18200] =	vst v63  }
0x83: {  	s15 =	rddreg [dreg:$0x1a];
	v3 =	vadd.s32 v1, v3  }
0x84: {  	[hbm4b:s4+s3] =	stream.indirect_vreg.scatter [tilespmem:s15], [sflag:$0x6], $0x80, v4, vm0, $0xb8;
	[tilespmem:$0x18200] =	vst v63  }
0x85: {  	s16 =	rddreg [dreg:$0x1b]  }
0x86: {  	[hbm4b:s5+s3] =	stream.indirect_vreg.scatter [tilespmem:s16], [sflag:$0x6], $0x80, v4, vm0, $0xb8;
	[tilespmem:$0x18200] =	vst v63  }
0x87: {  	s17 =	rddreg [dreg:$0x1c]  }
0x88: {  	[hbm4b:s2+s3] =	stream.indirect_vreg.scatter [tilespmem:s17], [sflag:$0x6], $0x80, v3, vm0, $0xb8;
	[tilespmem:$0x18200] =	vst v63  }
0x89: {  	s16 =	rddreg [dreg:$0x1d]  }
0x8a: {  	[hbm4b:s4+s3] =	stream.indirect_vreg.scatter [tilespmem:s16], [sflag:$0x6], $0x80, v3, vm0, $0xb8;
	[tilespmem:$0x18200] =	vst v63  }
0x8b: {  	s17 =	rddreg [dreg:$0x1e]  }
0x8c: {  	[hbm4b:s5+s3] =	stream.indirect_vreg.scatter [tilespmem:s17], [sflag:$0x6], $0x80, v3, vm0, $0xb8;
	[tilespmem:$0x18200] =	vst v63  }
0x8d: {  	v3 =	vld [tilespmem:$0x90];
	_ =	sdelay $0x4  }
0x8e: {  	v59 =	vshrl.u32 v3, $0x3  }
0x8f: {  	v4 =	vmul.u32 $0x30, v59  }
0x90: {  	v3 =	vand.u32 $0x7, v3  }
0x91: {  	v3 =	vor.u32 v3, v4  }
0x92: {  	v4 =	vperm.xlane v3, v0;
	_ =	sdelay $0x1  }
0x93: {  	v4 =	vadd.s32 v1, v4;
	_ =	sdelay $0x2  }
0x94: {  	s16 =	rddreg [dreg:$0x1f]  }
0x95: {  	s17 =	sld [smem:$0x7F2];
	v3 =	vperm.xlane v3, v2  }
0x96: {  	[hbm4b:s2+s3] =	stream.indirect_vreg.scatter [tilespmem:s16], [sflag:$0x6], $0x80, v4, vm0, $0xb8;
	[tilespmem:$0x18200] =	vst v63  }
0x97: {  	v3 =	vadd.s32 v1, v3;
	s16 =	sld [smem:$0x7F3]  }
0x98: {  	[hbm4b:s4+s3] =	stream.indirect_vreg.scatter [tilespmem:s17], [sflag:$0x6], $0x80, v4, vm0, $0xb8;
	[tilespmem:$0x18200] =	vst v63  }
0x99: {  	s17 =	sld [smem:$0x7F4]  }
0x9a: {  	[hbm4b:s5+s3] =	stream.indirect_vreg.scatter [tilespmem:s16], [sflag:$0x6], $0x80, v4, vm0, $0xb8;
	[tilespmem:$0x18200] =	vst v63  }
0x9b: {  	s16 =	sld [smem:$0x7F5]  }
0x9c: {  	[hbm4b:s2+s3] =	stream.indirect_vreg.scatter [tilespmem:s17], [sflag:$0x6], $0x80, v3, vm0, $0xb8;
	[tilespmem:$0x18200] =	vst v63  }
0x9d: {  	s17 =	sld [smem:$0x7F6]  }
0x9e: {  	[hbm4b:s4+s3] =	stream.indirect_vreg.scatter [tilespmem:s16], [sflag:$0x6], $0x80, v3, vm0, $0xb8;
	[tilespmem:$0x18200] =	vst v63  }
0x9f: {  	_ = 	snop  }
0xa0: {  	[hbm4b:s5+s3] =	stream.indirect_vreg.scatter [tilespmem:s17], [sflag:$0x6], $0x80, v3, vm0, $0xb8;
	[tilespmem:$0x18200] =	vst v63  }
0xa1: {  	_ =	swait.ge [sflag:s14], $0x6000  }
0xa2: {  	[sflag:s14] =	ssyncset.done $0x0  }
0xa3: {  	[sflag:s14] =	ssyncadd.s32 $0xFFFFA000  }
0xa4: {  	v3 =	vld [tilespmem:$0x100];
	_ =	sdelay $0x4  }
0xa5: {  	v60 =	vshrl.u32 v3, $0x3  }
0xa6: {  	v4 =	vmul.u32 $0x30, v60  }
0xa7: {  	v3 =	vand.u32 $0x7, v3  }
0xa8: {  	v3 =	vor.u32 v3, v4  }
0xa9: {  	v4 =	vperm.xlane v3, v0;
	_ =	sdelay $0x1  }
0xaa: {  	v4 =	vadd.s32 v1, v4;
	_ =	sdelay $0x3  }
0xab: {  	s15 =	sld [smem:$0x7F7];
	v3 =	vperm.xlane v3, v2  }
0xac: {  	[hbm4b:s2+s3] =	stream.indirect_vreg.scatter [tilespmem:s9], [sflag:$0x6], $0x80, v4, vm0, $0xb8;
	[tilespmem:$0x18200] =	vst v63  }
0xad: {  	s16 =	sld [smem:$0x7F8];
	v3 =	vadd.s32 v1, v3  }
0xae: {  	[hbm4b:s4+s3] =	stream.indirect_vreg.scatter [tilespmem:s15], [sflag:$0x6], $0x80, v4, vm0, $0xb8;
	[tilespmem:$0x18200] =	vst v63  }
0xaf: {  	s17 =	sld [smem:$0x7F9]  }
0xb0: {  	[hbm4b:s5+s3] =	stream.indirect_vreg.scatter [tilespmem:s16], [sflag:$0x6], $0x80, v4, vm0, $0xb8;
	[tilespmem:$0x18200] =	vst v63  }
0xb1: {  	s16 =	sld [smem:$0x7FA]  }
0xb2: {  	[hbm4b:s2+s3] =	stream.indirect_vreg.scatter [tilespmem:s17], [sflag:$0x6], $0x80, v3, vm0, $0xb8;
	[tilespmem:$0x18200] =	vst v63  }
0xb3: {  	s17 =	sld [smem:$0x7FB]  }
0xb4: {  	[hbm4b:s4+s3] =	stream.indirect_vreg.scatter [tilespmem:s16], [sflag:$0x6], $0x80, v3, vm0, $0xb8;
	[tilespmem:$0x18200] =	vst v63  }
0xb5: {  	_ = 	snop  }
0xb6: {  	[hbm4b:s5+s3] =	stream.indirect_vreg.scatter [tilespmem:s17], [sflag:$0x6], $0x80, v3, vm0, $0xb8;
	[tilespmem:$0x18200] =	vst v63  }
0xb7: {  	v3 =	vld [tilespmem:$0x110];
	_ =	sdelay $0x4  }
0xb8: {  	v61 =	vshrl.u32 v3, $0x3  }
0xb9: {  	v4 =	vmul.u32 $0x30, v61  }
0xba: {  	v3 =	vand.u32 $0x7, v3  }
0xbb: {  	v3 =	vor.u32 v3, v4  }
0xbc: {  	v4 =	vperm.xlane v3, v0;
	_ =	sdelay $0x1  }
0xbd: {  	v4 =	vadd.s32 v1, v4;
	_ =	sdelay $0x1  }
0xbe: {  	s16 =	sld [smem:$0x7FC];
	_ =	sdelay $0x1  }
0xbf: {  	s17 =	sld [smem:$0x7FD];
	v3 =	vperm.xlane v3, v2  }
0xc0: {  	[hbm4b:s2+s3] =	stream.indirect_vreg.scatter [tilespmem:s16], [sflag:$0x6], $0x80, v4, vm0, $0xb8;
	[tilespmem:$0x18200] =	vst v63  }
0xc1: {  	v3 =	vadd.s32 v1, v3  }
0xc2: {  	[hbm4b:s4+s3] =	stream.indirect_vreg.scatter [tilespmem:s17], [sflag:$0x6], $0x80, v4, vm0, $0xb8;
	[tilespmem:$0x18200] =	vst v63  }
0xc3: {  	s15 =	simm.s32 $0x10200  }
0xc4: {  	[hbm4b:s5+s3] =	stream.indirect_vreg.scatter [tilespmem:s15], [sflag:$0x6], $0x80, v4, vm0, $0xb8;
	[tilespmem:$0x18200] =	vst v63  }
0xc5: {  	s16 =	simm.s32 $0x10A00  }
0xc6: {  	[hbm4b:s2+s3] =	stream.indirect_vreg.scatter [tilespmem:s16], [sflag:$0x6], $0x80, v3, vm0, $0xb8;
	[tilespmem:$0x18200] =	vst v63  }
0xc7: {  	s17 =	simm.s32 $0x11200  }
0xc8: {  	[hbm4b:s4+s3] =	stream.indirect_vreg.scatter [tilespmem:s17], [sflag:$0x6], $0x80, v3, vm0, $0xb8;
	[tilespmem:$0x18200] =	vst v63  }
0xc9: {  	_ = 	snop  }
0xca: {  	[hbm4b:s5+s3] =	stream.indirect_vreg.scatter [tilespmem:s18], [sflag:$0x6], $0x80, v3, vm0, $0xb8;
	[tilespmem:$0x18200] =	vst v63  }
0xcb: {  	_ =	swait.ge [sflag:s19], $0x6000  }
0xcc: {  	[sflag:s19] =	ssyncset.done $0x0  }
0xcd: {  	[sflag:s19] =	ssyncadd.s32 $0xFFFFA000  }
0xce: {  	v3 =	vld [tilespmem:$0x180];
	_ =	sdelay $0x4  }
0xcf: {  	v62 =	vshrl.u32 v3, $0x3  }
0xd0: {  	v4 =	vmul.u32 $0x30, v62  }
0xd1: {  	v3 =	vand.u32 $0x7, v3  }
0xd2: {  	v3 =	vor.u32 v3, v4  }
0xd3: {  	v4 =	vperm.xlane v3, v0;
	_ =	sdelay $0x1  }
0xd4: {  	v4 =	vadd.s32 v1, v4;
	_ =	sdelay $0x3  }
0xd5: {  	v3 =	vperm.xlane v3, v2  }
0xd6: {  	[hbm4b:s2+s3] =	stream.indirect_vreg.scatter [tilespmem:s10], [sflag:$0x6], $0x80, v4, vm0, $0xb8;
	[tilespmem:$0x18200] =	vst v63  }
0xd7: {  	v3 =	vadd.s32 v1, v3  }
0xd8: {  	[hbm4b:s4+s3] =	stream.indirect_vreg.scatter [tilespmem:s20], [sflag:$0x6], $0x80, v4, vm0, $0xb8;
	[tilespmem:$0x18200] =	vst v63  }
0xd9: {  	_ = 	snop  }
0xda: {  	[hbm4b:s5+s3] =	stream.indirect_vreg.scatter [tilespmem:s21], [sflag:$0x6], $0x80, v4, vm0, $0xb8;
	[tilespmem:$0x18200] =	vst v63  }
0xdb: {  	_ = 	snop  }
0xdc: {  	[hbm4b:s2+s3] =	stream.indirect_vreg.scatter [tilespmem:s22], [sflag:$0x6], $0x80, v3, vm0, $0xb8;
	[tilespmem:$0x18200] =	vst v63  }
0xdd: {  	_ = 	snop  }
0xde: {  	[hbm4b:s4+s3] =	stream.indirect_vreg.scatter [tilespmem:s23], [sflag:$0x6], $0x80, v3, vm0, $0xb8;
	[tilespmem:$0x18200] =	vst v63  }
0xdf: {  	_ = 	snop  }
0xe0: {  	[hbm4b:s5+s3] =	stream.indirect_vreg.scatter [tilespmem:s24], [sflag:$0x6], $0x80, v3, vm0, $0xb8;
	[tilespmem:$0x18200] =	vst v63  }
0xe1: {  	v3 =	vld [tilespmem:$0x190];
	_ =	sdelay $0x4  }
0xe2: {  	v63 =	vshrl.u32 v3, $0x3  }
0xe3: {  	v4 =	vmul.u32 $0x30, v63  }
0xe4: {  	v3 =	vand.u32 $0x7, v3  }
0xe5: {  	v3 =	vor.u32 v3, v4  }
0xe6: {  	v4 =	vperm.xlane v3, v0;
	_ =	sdelay $0x1  }
0xe7: {  	v4 =	vadd.s32 v1, v4;
	_ =	sdelay $0x3  }
0xe8: {  	v3 =	vperm.xlane v3, v2  }
0xe9: {  	[hbm4b:s2+s3] =	stream.indirect_vreg.scatter [tilespmem:s25], [sflag:$0x6], $0x80, v4, vm0, $0xb8;
	[tilespmem:$0x18200] =	vst v63  }
0xea: {  	v3 =	vadd.s32 v1, v3  }
0xeb: {  	[hbm4b:s4+s3] =	stream.indirect_vreg.scatter [tilespmem:s26], [sflag:$0x6], $0x80, v4, vm0, $0xb8;
	[tilespmem:$0x18200] =	vst v63  }
0xec: {  	_ = 	snop  }
0xed: {  	[hbm4b:s5+s3] =	stream.indirect_vreg.scatter [tilespmem:s28], [sflag:$0x6], $0x80, v4, vm0, $0xb8;
	[tilespmem:$0x18200] =	vst v63  }
0xee: {  	_ = 	snop  }
0xef: {  	[hbm4b:s2+s3] =	stream.indirect_vreg.scatter [tilespmem:s29], [sflag:$0x6], $0x80, v3, vm0, $0xb8;
	[tilespmem:$0x18200] =	vst v63  }
0xf0: {  	_ = 	snop  }
0xf1: {  	[hbm4b:s4+s3] =	stream.indirect_vreg.scatter [tilespmem:s30], [sflag:$0x6], $0x80, v3, vm0, $0xb8;
	[tilespmem:$0x18200] =	vst v63  }
0xf2: {  	_ = 	snop  }
0xf3: {  	[hbm4b:s5+s3] =	stream.indirect_vreg.scatter [tilespmem:s31], [sflag:$0x6], $0x80, v3, vm0, $0xb8;
	[tilespmem:$0x18200] =	vst v63  }
0xf4: {  	_ =	swait.ge [sflag:s1], $0x6000  }
0xf5: {  	[sflag:s1] =	ssyncset.done $0x0  }
0xf6: {  	[sflag:s1] =	ssyncadd.s32 $0xFFFFA000  }
0xf7: {  	_ =	swait.ge [sflag:s1], $0x6000  }
0xf8: {  	[sflag:s1] =	ssyncset.done $0x0  }
0xf9: {  	[sflag:s1] =	ssyncadd.s32 $0xFFFFA000  }
0xfa: {  	p0 =	sne.s32 s6, $0x1;
	_ =	swait.ge [sflag:s1], $0x6000  }
.Ltmp0:
0xfb: {  	[sflag:s1] =	ssyncset.done $0x0;
	(pc) =	sbr.rel @p0 .LBB2_1-.Ltmp0, $4  }
0xfc: {  	[sflag:s1] =	ssyncadd.s32 $0xFFFFA000  }
0xfd: {  	_ =	swait.ge [sflag:s1], $0x6000  }
0xfe: {  	[sflag:s1] =	ssyncset.done $0x0  }
0xff: {  	s6 =	sadd.s32 $0xFFFFFFFF, s6;
	[sflag:s1] =	ssyncadd.s32 $0xFFFFA000  }
0x100: {  	_ =	sfence.sel $0x180000  }
0x101: {  	[bflag:$0x0] =	sbarrier.arrive $0xFFFF  }
0x102: {  	_ =	strace $0x90000047  }
0x103: {  	s0 =	stileid.u32;
	[bflag:$0x2] =	sbarrier.arrive $0xFFFF  }
0x104: {  	p0 =	sne.s32 s0, $0x0;
	s0 =	rddreg [dreg:$0x3]  }
0x105: {  	s0 =	sadd.s32 @!p0 $0x100000, s0  }
0x106: {  	[sflag:s0] =	ssyncadd.tile.s32 @!p0 $0x1;
	_ =	shalt  }
.Lfunc_end2:
_tile_overlayer_lowered:
.L_overlay_start_2:
0x107: {  	(tag) =	ssettag $0x2  }
0x108: {  	s0 =	rddreg [dreg:$0x0];
	s2 =	stileid.u32  }
0x109: {  	s1 =	rddreg [dreg:$0x1];
	p0 =	sne.s32 s2, $0x0  }
0x10a: {  	s3 =	rddreg [dreg:$0x2];
	[bflag:$0x3] =	sbarrier.arrive $0xFFFF;
	s2 =	simm.s32 @!p0 $0x1C07  }
0x10b: {  	[timem:s3], [sflag:s2] =	dma.local @!p0 [hbm:s0], s1  }
0x10c: {  	s0 =	simm.s32 @!p0 $0x7  }
0x10d: {  	_ =	swait.ge @!p0 [sflag:s0], s1  }
0x10e: {  	s1 =	ssub.s32 @!p0 $0x0, s1;
	[sflag:s0] =	ssyncset.done @!p0 $0x0  }
0x10f: {  	[sflag:s0] =	ssyncadd.s32 @!p0 s1  }
0x110: {  	[bflag:$0x3] =	sbarrier.arrive $0xFFFF  }
0x111: {  	_ =	shalt  }

</sc_bundles>
